<compile_context>
chip_gen: v7x
topology: tpu7x:2x2x1
jax: 0.10.2.dev20260603
libtpu: 0.0.44.dev20260713+nightly
codegen_flags: <defaults>
</compile_context>

<pallas_src>
import functools

import jax
import jax.numpy as jnp
from jax import lax
from jax.experimental import pallas as pl
from jax.experimental.pallas import tpu as pltpu
from jax.experimental.pallas import tpu_sc as plsc

NC = 2
NS = 16
NW = NC * NS
C = 88
NB = 2


def _make_seg_sum(N_pad, D, E):
    EPW = E // NW
    NCHUNK = EPW // C
    NOUT = NCHUNK // NB
    assert E % NW == 0 and EPW % C == 0 and NCHUNK % NB == 0
    RPT = N_pad // NS
    assert N_pad % NS == 0 and RPT % 8 == 0
    mesh = plsc.VectorSubcoreMesh(core_axis_name="c", subcore_axis_name="s")

    @functools.partial(
        pl.kernel,
        out_type=jax.ShapeDtypeStruct((NC, N_pad, D), jnp.float32),
        mesh=mesh,
        scratch_types=[
            pltpu.VMEM_SHARED((N_pad, D), jnp.float32),
            pltpu.VMEM((EPW,), jnp.int32),
            pltpu.VMEM((NCHUNK, C), jnp.int32),
            pltpu.VMEM((NB, 96, D), jnp.float32),
            pltpu.SemaphoreType.DMA((NB,)),
            pltpu.SemaphoreType.DMA((NB,)),
            pltpu.SemaphoreType.DMA,
        ],
    )
    def seg(x_hbm, src_hbm, dst_hbm, zeros_hbm, out_hbm,
            acc, src_all, dst_all, rows, gsem, ssem, msem):
        cid = lax.axis_index("c")
        sid = lax.axis_index("s")
        wid = sid * NC + cid
        rbase = sid * RPT
        cz = pltpu.async_copy(zeros_hbm.at[pl.ds(rbase, RPT)],
                              acc.at[pl.ds(rbase, RPT)], msem)
        cs = pltpu.async_copy(src_hbm.at[wid], src_all, msem)
        cd = pltpu.async_copy(dst_hbm.at[wid], dst_all, msem)
        cz.wait()
        cs.wait()
        cd.wait()
        plsc.subcore_barrier()
        for b in range(NB):
            pltpu.async_copy(x_hbm.at[src_all.at[pl.ds(b * C, C)]],
                             rows.at[b, pl.ds(0, C)], gsem.at[b])

        def body(i, carry):
            g0 = i * NB
            for b in range(NB):
                g = g0 + b
                pltpu.make_async_copy(zeros_hbm.at[pl.ds(0, C)],
                                      rows.at[b, pl.ds(0, C)],
                                      gsem.at[b]).wait()
                pltpu.async_copy(rows.at[b, pl.ds(0, C)],
                                 acc.at[dst_all.at[g]],
                                 ssem.at[b], add=True).wait()
                off = (g + NB) * C
                pltpu.async_copy(x_hbm.at[src_all.at[pl.ds(off, C)]],
                                 rows.at[b, pl.ds(0, C)], gsem.at[b])
            return carry

        lax.fori_loop(0, NOUT - 1, body, 0)
        g0 = (NOUT - 1) * NB
        for b in range(NB):
            g = g0 + b
            pltpu.make_async_copy(zeros_hbm.at[pl.ds(0, C)],
                                  rows.at[b, pl.ds(0, C)],
                                  gsem.at[b]).wait()
            pltpu.async_copy(rows.at[b, pl.ds(0, C)], acc.at[dst_all.at[g]],
                             ssem.at[b], add=True).wait()
        plsc.subcore_barrier()
        pltpu.sync_copy(acc.at[pl.ds(rbase, RPT)],
                        out_hbm.at[cid, pl.ds(rbase, RPT)])

    return seg


def _make_mlp(N, D, H, O, final_relu):
    B = 1000
    assert N % B == 0
    grid = N // B

    def body(x_ref, agg_ref, w1_ref, b1_ref, w2_ref, b2_ref, o_ref):
        xb = x_ref[...] + agg_ref[0] + agg_ref[1]
        h = jnp.dot(xb, w1_ref[...], preferred_element_type=jnp.float32)
        h = jnp.maximum(h + b1_ref[...], 0.0)
        o = jnp.dot(h, w2_ref[...], preferred_element_type=jnp.float32)
        o = o + b2_ref[...]
        if final_relu:
            o = jnp.maximum(o, 0.0)
        o_ref[...] = o

    return pl.pallas_call(
        body,
        grid=(grid,),
        in_specs=[
            pl.BlockSpec((B, D), lambda i: (i, 0)),
            pl.BlockSpec((NC, B, D), lambda i: (0, i, 0)),
            pl.BlockSpec((D, H), lambda i: (0, 0)),
            pl.BlockSpec((1, H), lambda i: (0, 0)),
            pl.BlockSpec((H, O), lambda i: (0, 0)),
            pl.BlockSpec((1, O), lambda i: (0, 0)),
        ],
        out_specs=pl.BlockSpec((B, O), lambda i: (i, 0)),
        out_shape=jax.ShapeDtypeStruct((N, O), jnp.float32),
    )


def kernel(x, edge_index, W11, b11, W12, b12, W21, b21, W22, b22):
    N, D = x.shape
    H = W11.shape[1]
    O = W22.shape[1]
    E = edge_index.shape[1]
    N_pad = ((N + NS * 8 - 1) // (NS * 8)) * (NS * 8)
    CPW = -(-(E // NW) // (C * NB)) * (C * NB)
    E_pad = CPW * NW
    pad = E_pad - E
    src_flat = jnp.concatenate(
        [edge_index[0], jnp.zeros((pad,), jnp.int32)])
    dst_flat = jnp.concatenate(
        [edge_index[1], jnp.full((pad,), N_pad - 1, jnp.int32)])
    src = src_flat.reshape(NW, CPW)
    dst = dst_flat.reshape(NW, CPW // C, C)
    zeros = jnp.zeros((N_pad, D), jnp.float32)

    seg = _make_seg_sum(N_pad, D, E_pad)
    mlp1 = _make_mlp(N, D, H, H, final_relu=True)
    mlp2 = _make_mlp(N, H, H, O, final_relu=False)

    agg1 = seg(x, src, dst, zeros)
    h = mlp1(x, agg1, W11, b11.reshape(1, H), W12, b12.reshape(1, H))
    agg2 = seg(h, src, dst, zeros)
    out = mlp2(h, agg2, W21, b21.reshape(1, H), W22, b22.reshape(1, O))
    return out

# --- scband reference (transcript-rebuilt; emitter-appended) ---
"""Pipeline reference for scband-gin-1288490189415 (READ-ONLY COPY).

The authoritative reference and input builder live on the scoring server;
editing this copy changes nothing except your own understanding.
"""

import jax, jax.numpy as jnp
import numpy as np

N = 10000
E = 320000
D = 128
H = 128
O = 128


def setup_inputs(seed: int = 0) -> dict:
    key = jax.random.key(seed)
    ks = jax.random.split(key, 12)
    x = jax.random.normal(ks[0], (N, D), dtype=jnp.float32)
    edge_index = jax.random.randint(ks[1], (2, E), 0, N, dtype=jnp.int32)
    # GINConv 1 internal MLP (mlp_model with 2 linear layers: D->H, H->H)
    W11 = jax.random.normal(ks[2], (D, H), dtype=jnp.float32) / np.sqrt(D)
    b11 = jnp.zeros((H,), dtype=jnp.float32)
    W12 = jax.random.normal(ks[3], (H, H), dtype=jnp.float32) / np.sqrt(H)
    b12 = jnp.zeros((H,), dtype=jnp.float32)
    # GINConv 2 internal MLP (H->H, H->O)
    W21 = jax.random.normal(ks[4], (H, H), dtype=jnp.float32) / np.sqrt(H)
    b21 = jnp.zeros((H,), dtype=jnp.float32)
    W22 = jax.random.normal(ks[5], (H, O), dtype=jnp.float32) / np.sqrt(H)
    b22 = jnp.zeros((O,), dtype=jnp.float32)
    return {"x": x, "edge_index": edge_index, "W11": W11, "b11": b11, "W12": W12, "b12": b12, "W21": W21, "b21": b21, "W22": W22, "b22": b22}


def _gin_conv(x, src, dst, W1, b1, W2, b2):
    # GINConv: mlp((1 + eps) * x + sum_{j in N(i)} x_j), eps = 0 (default, not trained)
    agg = jnp.zeros_like(x).at[dst].add(x[src])
    h = x + agg
    # internal mlp_model (num_layers=2): lin0 -> relu -> (dropout p=0) -> lin1
    h = jax.nn.relu(h @ W1 + b1)
    h = h @ W2 + b2
    return h


def reference(x, edge_index, W11, b11, W12, b12, W21, b21, W22, b22):
    src = edge_index[0]
    dst = edge_index[1]
    # GIN.forward: conv1 -> relu -> (dropout p=0) -> conv2
    h = _gin_conv(x, src, dst, W11, b11, W12, b12)
    h = jax.nn.relu(h)
    out = _gin_conv(h, src, dst, W21, b21, W22, b22)
    return out

if __name__ == "__main__":
    import jax
    _d = setup_inputs()
    print(jax.jit(kernel)(*tuple(_d.values())))

</pallas_src>

<mosaic_0001>
#map = affine_map<(d0, d1) -> (0, 0)>
#map1 = affine_map<(d0, d1) -> (0, 0, 0)>
module attributes {stable_mosaic.version = 14 : i64} {
  func.func @seg(%arg0: i32, %arg1: i32, %arg2: memref<10000x128xf32, #tpu.memory_space<hbm>>, %arg3: memref<32x10032xi32, #tpu.memory_space<hbm>>, %arg4: memref<32x114x88xi32, #tpu.memory_space<hbm>>, %arg5: memref<10112x128xf32, #tpu.memory_space<hbm>>, %arg6: memref<2x10112x128xf32, #tpu.memory_space<hbm>>, %arg7: memref<10112x128xf32, #tpu.memory_space<vmem_shared>>, %arg8: memref<10032xi32, #tpu.memory_space<vmem>>, %arg9: memref<114x88xi32, #tpu.memory_space<vmem>>, %arg10: memref<2x96x128xf32, #tpu.memory_space<vmem>>, %arg11: memref<2x!tpu.dma_semaphore, #tpu.memory_space<semaphore_mem>>, %arg12: memref<2x!tpu.dma_semaphore, #tpu.memory_space<semaphore_mem>>, %arg13: memref<!tpu.dma_semaphore, #tpu.memory_space<semaphore_mem>>) attributes {dimension_semantics = [#tpu.dimension_semantics<core_parallel>, #tpu.dimension_semantics<subcore_parallel>], iteration_bounds = array<i64: 2, 16>, scalar_prefetch = 0 : i64, scratch_operands = 7 : i64, tpu.core_type = #tpu.core_type<sc_vector_subcore>, window_params = [{transform_indices = #map}, {transform_indices = #map}, {transform_indices = #map1}, {transform_indices = #map}, {transform_indices = #map1}]} {
    %mul3A = arith.constant 2 : i32
    %mul3A_0 = arith.muli %arg1, %mul3A : i32
    %add3A = arith.addi %mul3A_0, %arg0 : i32
    %mul3A_1 = arith.constant 632 : i32
    %mul3A_2 = arith.muli %arg1, %mul3A_1 : i32
    %dma_start3A = arith.constant 0 : i32
    %dma_start3A_3 = tpu.memref_slice %arg7[%mul3A_2, %dma_start3A] : memref<10112x128xf32, #tpu.memory_space<vmem_shared>> -> memref<632x128xf32, #tpu.memory_space<vmem_shared>>
    %dma_start3A_4 = arith.constant 0 : i32
    %dma_start3A_5 = tpu.memref_slice %arg5[%mul3A_2, %dma_start3A_4] : memref<10112x128xf32, #tpu.memory_space<hbm>> -> memref<632x128xf32, #tpu.memory_space<hbm>>
    tpu.enqueue_dma source(%dma_start3A_5 : memref<632x128xf32, #tpu.memory_space<hbm>>) target(%dma_start3A_3 : memref<632x128xf32, #tpu.memory_space<vmem_shared>>) target_semaphore(%arg13 : memref<!tpu.dma_semaphore, #tpu.memory_space<semaphore_mem>>)
    %dma_start3A_6 = arith.constant 0 : i32
    %dma_start3A_7 = tpu.memref_slice %arg3[%add3A, %dma_start3A_6] : memref<32x10032xi32, #tpu.memory_space<hbm>> -> memref<1x10032xi32, #tpu.memory_space<hbm>>
    %dma_start3A_8 = tpu.memref_squeeze %dma_start3A_7 : memref<1x10032xi32, #tpu.memory_space<hbm>> -> memref<10032xi32, #tpu.memory_space<hbm>>
    %dma_start3A_9 = arith.constant 0 : i32
    %dma_start3A_10 = tpu.memref_slice %arg3[%add3A, %dma_start3A_9] : memref<32x10032xi32, #tpu.memory_space<hbm>> -> memref<1x10032xi32, #tpu.memory_space<hbm>>
    %dma_start3A_11 = tpu.memref_squeeze %dma_start3A_10 : memref<1x10032xi32, #tpu.memory_space<hbm>> -> memref<10032xi32, #tpu.memory_space<hbm>>
    tpu.enqueue_dma source(%dma_start3A_11 : memref<10032xi32, #tpu.memory_space<hbm>>) target(%arg8 : memref<10032xi32, #tpu.memory_space<vmem>>) target_semaphore(%arg13 : memref<!tpu.dma_semaphore, #tpu.memory_space<semaphore_mem>>)
    %dma_start3A_12 = arith.constant 0 : i32
    %dma_start3A_13 = arith.constant 0 : i32
    %dma_start3A_14 = tpu.memref_slice %arg4[%add3A, %dma_start3A_12, %dma_start3A_13] : memref<32x114x88xi32, #tpu.memory_space<hbm>> -> memref<1x114x88xi32, #tpu.memory_space<hbm>>
    %dma_start3A_15 = tpu.memref_squeeze %dma_start3A_14 : memref<1x114x88xi32, #tpu.memory_space<hbm>> -> memref<114x88xi32, #tpu.memory_space<hbm>>
    %dma_start3A_16 = arith.constant 0 : i32
    %dma_start3A_17 = arith.constant 0 : i32
    %dma_start3A_18 = tpu.memref_slice %arg4[%add3A, %dma_start3A_16, %dma_start3A_17] : memref<32x114x88xi32, #tpu.memory_space<hbm>> -> memref<1x114x88xi32, #tpu.memory_space<hbm>>
    %dma_start3A_19 = tpu.memref_squeeze %dma_start3A_18 : memref<1x114x88xi32, #tpu.memory_space<hbm>> -> memref<114x88xi32, #tpu.memory_space<hbm>>
    tpu.enqueue_dma source(%dma_start3A_19 : memref<114x88xi32, #tpu.memory_space<hbm>>) target(%arg9 : memref<114x88xi32, #tpu.memory_space<vmem>>) target_semaphore(%arg13 : memref<!tpu.dma_semaphore, #tpu.memory_space<semaphore_mem>>)
    %dma_wait3A = arith.constant 0 : i32
    %dma_wait3A_20 = tpu.memref_slice %arg7[%mul3A_2, %dma_wait3A] : memref<10112x128xf32, #tpu.memory_space<vmem_shared>> -> memref<632x128xf32, #tpu.memory_space<vmem_shared>>
    %dma_wait3A_21 = arith.constant 0 : i32
    %dma_wait3A_22 = tpu.memref_slice %arg5[%mul3A_2, %dma_wait3A_21] : memref<10112x128xf32, #tpu.memory_space<hbm>> -> memref<632x128xf32, #tpu.memory_space<hbm>>
    tpu.wait_dma2 semaphore(%arg13 : memref<!tpu.dma_semaphore, #tpu.memory_space<semaphore_mem>>) src(%dma_wait3A_22 : memref<632x128xf32, #tpu.memory_space<hbm>>) dst(%dma_wait3A_20 : memref<632x128xf32, #tpu.memory_space<vmem_shared>>)
    %dma_wait3A_23 = arith.constant 0 : i32
    %dma_wait3A_24 = tpu.memref_slice %arg3[%add3A, %dma_wait3A_23] : memref<32x10032xi32, #tpu.memory_space<hbm>> -> memref<1x10032xi32, #tpu.memory_space<hbm>>
    %dma_wait3A_25 = tpu.memref_squeeze %dma_wait3A_24 : memref<1x10032xi32, #tpu.memory_space<hbm>> -> memref<10032xi32, #tpu.memory_space<hbm>>
    %dma_wait3A_26 = arith.constant 0 : i32
    %dma_wait3A_27 = tpu.memref_slice %arg3[%add3A, %dma_wait3A_26] : memref<32x10032xi32, #tpu.memory_space<hbm>> -> memref<1x10032xi32, #tpu.memory_space<hbm>>
    %dma_wait3A_28 = tpu.memref_squeeze %dma_wait3A_27 : memref<1x10032xi32, #tpu.memory_space<hbm>> -> memref<10032xi32, #tpu.memory_space<hbm>>
    tpu.wait_dma2 semaphore(%arg13 : memref<!tpu.dma_semaphore, #tpu.memory_space<semaphore_mem>>) src(%dma_wait3A_28 : memref<10032xi32, #tpu.memory_space<hbm>>) dst(%arg8 : memref<10032xi32, #tpu.memory_space<vmem>>)
    %dma_wait3A_29 = arith.constant 0 : i32
    %dma_wait3A_30 = arith.constant 0 : i32
    %dma_wait3A_31 = tpu.memref_slice %arg4[%add3A, %dma_wait3A_29, %dma_wait3A_30] : memref<32x114x88xi32, #tpu.memory_space<hbm>> -> memref<1x114x88xi32, #tpu.memory_space<hbm>>
    %dma_wait3A_32 = tpu.memref_squeeze %dma_wait3A_31 : memref<1x114x88xi32, #tpu.memory_space<hbm>> -> memref<114x88xi32, #tpu.memory_space<hbm>>
    %dma_wait3A_33 = arith.constant 0 : i32
    %dma_wait3A_34 = arith.constant 0 : i32
    %dma_wait3A_35 = tpu.memref_slice %arg4[%add3A, %dma_wait3A_33, %dma_wait3A_34] : memref<32x114x88xi32, #tpu.memory_space<hbm>> -> memref<1x114x88xi32, #tpu.memory_space<hbm>>
    %dma_wait3A_36 = tpu.memref_squeeze %dma_wait3A_35 : memref<1x114x88xi32, #tpu.memory_space<hbm>> -> memref<114x88xi32, #tpu.memory_space<hbm>>
    tpu.wait_dma2 semaphore(%arg13 : memref<!tpu.dma_semaphore, #tpu.memory_space<semaphore_mem>>) src(%dma_wait3A_36 : memref<114x88xi32, #tpu.memory_space<hbm>>) dst(%arg9 : memref<114x88xi32, #tpu.memory_space<vmem>>)
    %barrier3A = arith.constant 0 : index
    tpu.barrier barrier_id(%barrier3A)
    %dma_start3A_37 = arith.constant 0 : i32
    %dma_start3A_38 = arith.constant 0 : i32
    %dma_start3A_39 = arith.constant 0 : i32
    %dma_start3A_40 = arith.constant 0 : i32
    %dma_start3A_41 = tpu.memref_slice %arg10[%dma_start3A_37, %dma_start3A_39, %dma_start3A_40] : memref<2x96x128xf32, #tpu.memory_space<vmem>> -> memref<1x88x128xf32, #tpu.memory_space<vmem>>
    %dma_start3A_42 = tpu.memref_squeeze %dma_start3A_41 : memref<1x88x128xf32, #tpu.memory_space<vmem>> -> memref<88x128xf32, #tpu.memory_space<vmem>>
    %dma_start3A_43 = arith.constant 0 : i32
    %dma_start3A_44 = tpu.memref_slice %arg8[%dma_start3A_43] : memref<10032xi32, #tpu.memory_space<vmem>> -> memref<88xi32, #tpu.memory_space<vmem>>
    %dma_start3A_45 = arith.constant 0 : i32
    %dma_start3A_46 = arith.constant 0 : i32
    %dma_start3A_47 = tpu.memref_slice %arg2[%dma_start3A_45, %dma_start3A_46] : memref<10000x128xf32, #tpu.memory_space<hbm>> -> memref<10000x128xf32, #tpu.memory_space<hbm>>
    %dma_start3A_48 = tpu.memref_slice %arg11[%dma_start3A_38] : memref<2x!tpu.dma_semaphore, #tpu.memory_space<semaphore_mem>> -> memref<1x!tpu.dma_semaphore, #tpu.memory_space<semaphore_mem>>
    %dma_start3A_49 = tpu.memref_squeeze %dma_start3A_48 : memref<1x!tpu.dma_semaphore, #tpu.memory_space<semaphore_mem>> -> memref<!tpu.dma_semaphore, #tpu.memory_space<semaphore_mem>>
    tpu.enqueue_indirect_dma source(%dma_start3A_47 : memref<10000x128xf32, #tpu.memory_space<hbm>>) target(%dma_start3A_42 : memref<88x128xf32, #tpu.memory_space<vmem>>) offsets(%dma_start3A_44 : memref<88xi32, #tpu.memory_space<vmem>>) semaphore(%dma_start3A_49 : memref<!tpu.dma_semaphore, #tpu.memory_space<semaphore_mem>>)
    %dma_start3A_50 = arith.constant 1 : i32
    %dma_start3A_51 = arith.constant 1 : i32
    %dma_start3A_52 = arith.constant 0 : i32
    %dma_start3A_53 = arith.constant 0 : i32
    %dma_start3A_54 = tpu.memref_slice %arg10[%dma_start3A_50, %dma_start3A_52, %dma_start3A_53] : memref<2x96x128xf32, #tpu.memory_space<vmem>> -> memref<1x88x128xf32, #tpu.memory_space<vmem>>
    %dma_start3A_55 = tpu.memref_squeeze %dma_start3A_54 : memref<1x88x128xf32, #tpu.memory_space<vmem>> -> memref<88x128xf32, #tpu.memory_space<vmem>>
    %dma_start3A_56 = arith.constant 88 : i32
    %dma_start3A_57 = tpu.memref_slice %arg8[%dma_start3A_56] : memref<10032xi32, #tpu.memory_space<vmem>> -> memref<88xi32, #tpu.memory_space<vmem>>
    %dma_start3A_58 = arith.constant 0 : i32
    %dma_start3A_59 = arith.constant 0 : i32
    %dma_start3A_60 = tpu.memref_slice %arg2[%dma_start3A_58, %dma_start3A_59] : memref<10000x128xf32, #tpu.memory_space<hbm>> -> memref<10000x128xf32, #tpu.memory_space<hbm>>
    %dma_start3A_61 = tpu.memref_slice %arg11[%dma_start3A_51] : memref<2x!tpu.dma_semaphore, #tpu.memory_space<semaphore_mem>> -> memref<1x!tpu.dma_semaphore, #tpu.memory_space<semaphore_mem>>
    %dma_start3A_62 = tpu.memref_squeeze %dma_start3A_61 : memref<1x!tpu.dma_semaphore, #tpu.memory_space<semaphore_mem>> -> memref<!tpu.dma_semaphore, #tpu.memory_space<semaphore_mem>>
    tpu.enqueue_indirect_dma source(%dma_start3A_60 : memref<10000x128xf32, #tpu.memory_space<hbm>>) target(%dma_start3A_55 : memref<88x128xf32, #tpu.memory_space<vmem>>) offsets(%dma_start3A_57 : memref<88xi32, #tpu.memory_space<vmem>>) semaphore(%dma_start3A_62 : memref<!tpu.dma_semaphore, #tpu.memory_space<semaphore_mem>>)
    %scan3A = arith.constant 0 : i32
    %scan3A_63 = arith.constant 0 : i32
    %scan3A_64 = arith.constant 56 : i32
    %scan3A_65 = arith.addi %scan3A_63, %scan3A_64 : i32
    %scan3A_66 = arith.constant 1 : i32
    scf.for %scan3A_165 = %scan3A_63 to %scan3A_65 step %scan3A_66  : i32 {
      %mul3A_166 = arith.constant 2 : i32
      %mul3A_167 = arith.muli %scan3A_165, %mul3A_166 : i32
      %add3A_168 = arith.constant 0 : i32
      %add3A_169 = arith.addi %mul3A_167, %add3A_168 : i32
      %dma_wait3A_170 = arith.constant 0 : i32
      %dma_wait3A_171 = arith.constant 0 : i32
      %dma_wait3A_172 = arith.constant 0 : i32
      %dma_wait3A_173 = arith.constant 0 : i32
      %dma_wait3A_174 = tpu.memref_slice %arg10[%dma_wait3A_170, %dma_wait3A_172, %dma_wait3A_173] : memref<2x96x128xf32, #tpu.memory_space<vmem>> -> memref<1x88x128xf32, #tpu.memory_space<vmem>>
      %dma_wait3A_175 = tpu.memref_squeeze %dma_wait3A_174 : memref<1x88x128xf32, #tpu.memory_space<vmem>> -> memref<88x128xf32, #tpu.memory_space<vmem>>
      %dma_wait3A_176 = arith.constant 0 : i32
      %dma_wait3A_177 = arith.constant 0 : i32
      %dma_wait3A_178 = tpu.memref_slice %arg5[%dma_wait3A_176, %dma_wait3A_177] : memref<10112x128xf32, #tpu.memory_space<hbm>> -> memref<88x128xf32, #tpu.memory_space<hbm>>
      %dma_wait3A_179 = tpu.memref_slice %arg11[%dma_wait3A_171] : memref<2x!tpu.dma_semaphore, #tpu.memory_space<semaphore_mem>> -> memref<1x!tpu.dma_semaphore, #tpu.memory_space<semaphore_mem>>
      %dma_wait3A_180 = tpu.memref_squeeze %dma_wait3A_179 : memref<1x!tpu.dma_semaphore, #tpu.memory_space<semaphore_mem>> -> memref<!tpu.dma_semaphore, #tpu.memory_space<semaphore_mem>>
      %dma_wait3A_181 = arith.constant 0 : i32
      %dma_wait3A_182 = arith.constant 0 : i32
      %dma_wait3A_183 = tpu.memref_slice %arg10[%dma_wait3A_170, %dma_wait3A_181, %dma_wait3A_182] : memref<2x96x128xf32, #tpu.memory_space<vmem>> -> memref<1x88x128xf32, #tpu.memory_space<vmem>>
      %dma_wait3A_184 = tpu.memref_squeeze %dma_wait3A_183 : memref<1x88x128xf32, #tpu.memory_space<vmem>> -> memref<88x128xf32, #tpu.memory_space<vmem>>
      %dma_wait3A_185 = arith.constant 0 : i32
      %dma_wait3A_186 = arith.constant 0 : i32
      %dma_wait3A_187 = tpu.memref_slice %arg5[%dma_wait3A_185, %dma_wait3A_186] : memref<10112x128xf32, #tpu.memory_space<hbm>> -> memref<88x128xf32, #tpu.memory_space<hbm>>
      tpu.wait_dma2 semaphore(%dma_wait3A_180 : memref<!tpu.dma_semaphore, #tpu.memory_space<semaphore_mem>>) src(%dma_wait3A_187 : memref<88x128xf32, #tpu.memory_space<hbm>>) dst(%dma_wait3A_184 : memref<88x128xf32, #tpu.memory_space<vmem>>)
      %dma_start3A_188 = arith.constant 0 : i32
      %dma_start3A_189 = arith.constant 0 : i32
      %dma_start3A_190 = arith.constant 0 : i32
      %dma_start3A_191 = arith.constant 0 : i32
      %dma_start3A_192 = tpu.memref_slice %arg10[%dma_start3A_188, %dma_start3A_190, %dma_start3A_191] : memref<2x96x128xf32, #tpu.memory_space<vmem>> -> memref<1x88x128xf32, #tpu.memory_space<vmem>>
      %dma_start3A_193 = tpu.memref_squeeze %dma_start3A_192 : memref<1x88x128xf32, #tpu.memory_space<vmem>> -> memref<88x128xf32, #tpu.memory_space<vmem>>
      %dma_start3A_194 = arith.constant 0 : i32
      %dma_start3A_195 = tpu.memref_slice %arg9[%add3A_169, %dma_start3A_194] : memref<114x88xi32, #tpu.memory_space<vmem>> -> memref<1x88xi32, #tpu.memory_space<vmem>>
      %dma_start3A_196 = tpu.memref_squeeze %dma_start3A_195 : memref<1x88xi32, #tpu.memory_space<vmem>> -> memref<88xi32, #tpu.memory_space<vmem>>
      %dma_start3A_197 = arith.constant 0 : i32
      %dma_start3A_198 = arith.constant 0 : i32
      %dma_start3A_199 = tpu.memref_slice %arg7[%dma_start3A_197, %dma_start3A_198] : memref<10112x128xf32, #tpu.memory_space<vmem_shared>> -> memref<10112x128xf32, #tpu.memory_space<vmem_shared>>
      %dma_start3A_200 = tpu.memref_slice %arg12[%dma_start3A_189] : memref<2x!tpu.dma_semaphore, #tpu.memory_space<semaphore_mem>> -> memref<1x!tpu.dma_semaphore, #tpu.memory_space<semaphore_mem>>
      %dma_start3A_201 = tpu.memref_squeeze %dma_start3A_200 : memref<1x!tpu.dma_semaphore, #tpu.memory_space<semaphore_mem>> -> memref<!tpu.dma_semaphore, #tpu.memory_space<semaphore_mem>>
      tpu.enqueue_indirect_dma source(%dma_start3A_193 : memref<88x128xf32, #tpu.memory_space<vmem>>) target(%dma_start3A_199 : memref<10112x128xf32, #tpu.memory_space<vmem_shared>>) offsets(%dma_start3A_196 : memref<88xi32, #tpu.memory_space<vmem>>) semaphore(%dma_start3A_201 : memref<!tpu.dma_semaphore, #tpu.memory_space<semaphore_mem>>) {add = true}
      %dma_wait3A_202 = arith.constant 0 : i32
      %dma_wait3A_203 = arith.constant 0 : i32
      %dma_wait3A_204 = arith.constant 0 : i32
      %dma_wait3A_205 = arith.constant 0 : i32
      %dma_wait3A_206 = tpu.memref_slice %arg10[%dma_wait3A_202, %dma_wait3A_204, %dma_wait3A_205] : memref<2x96x128xf32, #tpu.memory_space<vmem>> -> memref<1x88x128xf32, #tpu.memory_space<vmem>>
      %dma_wait3A_207 = tpu.memref_squeeze %dma_wait3A_206 : memref<1x88x128xf32, #tpu.memory_space<vmem>> -> memref<88x128xf32, #tpu.memory_space<vmem>>
      %dma_wait3A_208 = arith.constant 0 : i32
      %dma_wait3A_209 = tpu.memref_slice %arg9[%add3A_169, %dma_wait3A_208] : memref<114x88xi32, #tpu.memory_space<vmem>> -> memref<1x88xi32, #tpu.memory_space<vmem>>
      %dma_wait3A_210 = tpu.memref_squeeze %dma_wait3A_209 : memref<1x88xi32, #tpu.memory_space<vmem>> -> memref<88xi32, #tpu.memory_space<vmem>>
      %dma_wait3A_211 = arith.constant 0 : i32
      %dma_wait3A_212 = arith.constant 0 : i32
      %dma_wait3A_213 = tpu.memref_slice %arg7[%dma_wait3A_211, %dma_wait3A_212] : memref<10112x128xf32, #tpu.memory_space<vmem_shared>> -> memref<10112x128xf32, #tpu.memory_space<vmem_shared>>
      %dma_wait3A_214 = tpu.memref_slice %arg12[%dma_wait3A_203] : memref<2x!tpu.dma_semaphore, #tpu.memory_space<semaphore_mem>> -> memref<1x!tpu.dma_semaphore, #tpu.memory_space<semaphore_mem>>
      %dma_wait3A_215 = tpu.memref_squeeze %dma_wait3A_214 : memref<1x!tpu.dma_semaphore, #tpu.memory_space<semaphore_mem>> -> memref<!tpu.dma_semaphore, #tpu.memory_space<semaphore_mem>>
      tpu.wait_indirect_dma semaphore(%dma_wait3A_215 : memref<!tpu.dma_semaphore, #tpu.memory_space<semaphore_mem>>) src(%dma_wait3A_207 : memref<88x128xf32, #tpu.memory_space<vmem>>) dst(%dma_wait3A_213 : memref<10112x128xf32, #tpu.memory_space<vmem_shared>>)
      %add3A_216 = arith.constant 2 : i32
      %add3A_217 = arith.addi %add3A_169, %add3A_216 : i32
      %mul3A_218 = arith.constant 88 : i32
      %mul3A_219 = arith.muli %add3A_217, %mul3A_218 : i32
      %dma_start3A_220 = arith.constant 0 : i32
      %dma_start3A_221 = arith.constant 0 : i32
      %dma_start3A_222 = arith.constant 0 : i32
      %dma_start3A_223 = arith.constant 0 : i32
      %dma_start3A_224 = tpu.memref_slice %arg10[%dma_start3A_220, %dma_start3A_222, %dma_start3A_223] : memref<2x96x128xf32, #tpu.memory_space<vmem>> -> memref<1x88x128xf32, #tpu.memory_space<vmem>>
      %dma_start3A_225 = tpu.memref_squeeze %dma_start3A_224 : memref<1x88x128xf32, #tpu.memory_space<vmem>> -> memref<88x128xf32, #tpu.memory_space<vmem>>
      %dma_start3A_226 = tpu.memref_slice %arg8[%mul3A_219] : memref<10032xi32, #tpu.memory_space<vmem>> -> memref<88xi32, #tpu.memory_space<vmem>>
      %dma_start3A_227 = arith.constant 0 : i32
      %dma_start3A_228 = arith.constant 0 : i32
      %dma_start3A_229 = tpu.memref_slice %arg2[%dma_start3A_227, %dma_start3A_228] : memref<10000x128xf32, #tpu.memory_space<hbm>> -> memref<10000x128xf32, #tpu.memory_space<hbm>>
      %dma_start3A_230 = tpu.memref_slice %arg11[%dma_start3A_221] : memref<2x!tpu.dma_semaphore, #tpu.memory_space<semaphore_mem>> -> memref<1x!tpu.dma_semaphore, #tpu.memory_space<semaphore_mem>>
      %dma_start3A_231 = tpu.memref_squeeze %dma_start3A_230 : memref<1x!tpu.dma_semaphore, #tpu.memory_space<semaphore_mem>> -> memref<!tpu.dma_semaphore, #tpu.memory_space<semaphore_mem>>
      tpu.enqueue_indirect_dma source(%dma_start3A_229 : memref<10000x128xf32, #tpu.memory_space<hbm>>) target(%dma_start3A_225 : memref<88x128xf32, #tpu.memory_space<vmem>>) offsets(%dma_start3A_226 : memref<88xi32, #tpu.memory_space<vmem>>) semaphore(%dma_start3A_231 : memref<!tpu.dma_semaphore, #tpu.memory_space<semaphore_mem>>)
      %add3A_232 = arith.constant 1 : i32
      %add3A_233 = arith.addi %mul3A_167, %add3A_232 : i32
      %dma_wait3A_234 = arith.constant 1 : i32
      %dma_wait3A_235 = arith.constant 1 : i32
      %dma_wait3A_236 = arith.constant 0 : i32
      %dma_wait3A_237 = arith.constant 0 : i32
      %dma_wait3A_238 = tpu.memref_slice %arg10[%dma_wait3A_234, %dma_wait3A_236, %dma_wait3A_237] : memref<2x96x128xf32, #tpu.memory_space<vmem>> -> memref<1x88x128xf32, #tpu.memory_space<vmem>>
      %dma_wait3A_239 = tpu.memref_squeeze %dma_wait3A_238 : memref<1x88x128xf32, #tpu.memory_space<vmem>> -> memref<88x128xf32, #tpu.memory_space<vmem>>
      %dma_wait3A_240 = arith.constant 0 : i32
      %dma_wait3A_241 = arith.constant 0 : i32
      %dma_wait3A_242 = tpu.memref_slice %arg5[%dma_wait3A_240, %dma_wait3A_241] : memref<10112x128xf32, #tpu.memory_space<hbm>> -> memref<88x128xf32, #tpu.memory_space<hbm>>
      %dma_wait3A_243 = tpu.memref_slice %arg11[%dma_wait3A_235] : memref<2x!tpu.dma_semaphore, #tpu.memory_space<semaphore_mem>> -> memref<1x!tpu.dma_semaphore, #tpu.memory_space<semaphore_mem>>
      %dma_wait3A_244 = tpu.memref_squeeze %dma_wait3A_243 : memref<1x!tpu.dma_semaphore, #tpu.memory_space<semaphore_mem>> -> memref<!tpu.dma_semaphore, #tpu.memory_space<semaphore_mem>>
      %dma_wait3A_245 = arith.constant 0 : i32
      %dma_wait3A_246 = arith.constant 0 : i32
      %dma_wait3A_247 = tpu.memref_slice %arg10[%dma_wait3A_234, %dma_wait3A_245, %dma_wait3A_246] : memref<2x96x128xf32, #tpu.memory_space<vmem>> -> memref<1x88x128xf32, #tpu.memory_space<vmem>>
      %dma_wait3A_248 = tpu.memref_squeeze %dma_wait3A_247 : memref<1x88x128xf32, #tpu.memory_space<vmem>> -> memref<88x128xf32, #tpu.memory_space<vmem>>
      %dma_wait3A_249 = arith.constant 0 : i32
      %dma_wait3A_250 = arith.constant 0 : i32
      %dma_wait3A_251 = tpu.memref_slice %arg5[%dma_wait3A_249, %dma_wait3A_250] : memref<10112x128xf32, #tpu.memory_space<hbm>> -> memref<88x128xf32, #tpu.memory_space<hbm>>
      tpu.wait_dma2 semaphore(%dma_wait3A_244 : memref<!tpu.dma_semaphore, #tpu.memory_space<semaphore_mem>>) src(%dma_wait3A_251 : memref<88x128xf32, #tpu.memory_space<hbm>>) dst(%dma_wait3A_248 : memref<88x128xf32, #tpu.memory_space<vmem>>)
      %dma_start3A_252 = arith.constant 1 : i32
      %dma_start3A_253 = arith.constant 1 : i32
      %dma_start3A_254 = arith.constant 0 : i32
      %dma_start3A_255 = arith.constant 0 : i32
      %dma_start3A_256 = tpu.memref_slice %arg10[%dma_start3A_252, %dma_start3A_254, %dma_start3A_255] : memref<2x96x128xf32, #tpu.memory_space<vmem>> -> memref<1x88x128xf32, #tpu.memory_space<vmem>>
      %dma_start3A_257 = tpu.memref_squeeze %dma_start3A_256 : memref<1x88x128xf32, #tpu.memory_space<vmem>> -> memref<88x128xf32, #tpu.memory_space<vmem>>
      %dma_start3A_258 = arith.constant 0 : i32
      %dma_start3A_259 = tpu.memref_slice %arg9[%add3A_233, %dma_start3A_258] : memref<114x88xi32, #tpu.memory_space<vmem>> -> memref<1x88xi32, #tpu.memory_space<vmem>>
      %dma_start3A_260 = tpu.memref_squeeze %dma_start3A_259 : memref<1x88xi32, #tpu.memory_space<vmem>> -> memref<88xi32, #tpu.memory_space<vmem>>
      %dma_start3A_261 = arith.constant 0 : i32
      %dma_start3A_262 = arith.constant 0 : i32
      %dma_start3A_263 = tpu.memref_slice %arg7[%dma_start3A_261, %dma_start3A_262] : memref<10112x128xf32, #tpu.memory_space<vmem_shared>> -> memref<10112x128xf32, #tpu.memory_space<vmem_shared>>
      %dma_start3A_264 = tpu.memref_slice %arg12[%dma_start3A_253] : memref<2x!tpu.dma_semaphore, #tpu.memory_space<semaphore_mem>> -> memref<1x!tpu.dma_semaphore, #tpu.memory_space<semaphore_mem>>
      %dma_start3A_265 = tpu.memref_squeeze %dma_start3A_264 : memref<1x!tpu.dma_semaphore, #tpu.memory_space<semaphore_mem>> -> memref<!tpu.dma_semaphore, #tpu.memory_space<semaphore_mem>>
      tpu.enqueue_indirect_dma source(%dma_start3A_257 : memref<88x128xf32, #tpu.memory_space<vmem>>) target(%dma_start3A_263 : memref<10112x128xf32, #tpu.memory_space<vmem_shared>>) offsets(%dma_start3A_260 : memref<88xi32, #tpu.memory_space<vmem>>) semaphore(%dma_start3A_265 : memref<!tpu.dma_semaphore, #tpu.memory_space<semaphore_mem>>) {add = true}
      %dma_wait3A_266 = arith.constant 1 : i32
      %dma_wait3A_267 = arith.constant 1 : i32
      %dma_wait3A_268 = arith.constant 0 : i32
      %dma_wait3A_269 = arith.constant 0 : i32
      %dma_wait3A_270 = tpu.memref_slice %arg10[%dma_wait3A_266, %dma_wait3A_268, %dma_wait3A_269] : memref<2x96x128xf32, #tpu.memory_space<vmem>> -> memref<1x88x128xf32, #tpu.memory_space<vmem>>
      %dma_wait3A_271 = tpu.memref_squeeze %dma_wait3A_270 : memref<1x88x128xf32, #tpu.memory_space<vmem>> -> memref<88x128xf32, #tpu.memory_space<vmem>>
      %dma_wait3A_272 = arith.constant 0 : i32
      %dma_wait3A_273 = tpu.memref_slice %arg9[%add3A_233, %dma_wait3A_272] : memref<114x88xi32, #tpu.memory_space<vmem>> -> memref<1x88xi32, #tpu.memory_space<vmem>>
      %dma_wait3A_274 = tpu.memref_squeeze %dma_wait3A_273 : memref<1x88xi32, #tpu.memory_space<vmem>> -> memref<88xi32, #tpu.memory_space<vmem>>
      %dma_wait3A_275 = arith.constant 0 : i32
      %dma_wait3A_276 = arith.constant 0 : i32
      %dma_wait3A_277 = tpu.memref_slice %arg7[%dma_wait3A_275, %dma_wait3A_276] : memref<10112x128xf32, #tpu.memory_space<vmem_shared>> -> memref<10112x128xf32, #tpu.memory_space<vmem_shared>>
      %dma_wait3A_278 = tpu.memref_slice %arg12[%dma_wait3A_267] : memref<2x!tpu.dma_semaphore, #tpu.memory_space<semaphore_mem>> -> memref<1x!tpu.dma_semaphore, #tpu.memory_space<semaphore_mem>>
      %dma_wait3A_279 = tpu.memref_squeeze %dma_wait3A_278 : memref<1x!tpu.dma_semaphore, #tpu.memory_space<semaphore_mem>> -> memref<!tpu.dma_semaphore, #tpu.memory_space<semaphore_mem>>
      tpu.wait_indirect_dma semaphore(%dma_wait3A_279 : memref<!tpu.dma_semaphore, #tpu.memory_space<semaphore_mem>>) src(%dma_wait3A_271 : memref<88x128xf32, #tpu.memory_space<vmem>>) dst(%dma_wait3A_277 : memref<10112x128xf32, #tpu.memory_space<vmem_shared>>)
      %add3A_280 = arith.constant 2 : i32
      %add3A_281 = arith.addi %add3A_233, %add3A_280 : i32
      %mul3A_282 = arith.constant 88 : i32
      %mul3A_283 = arith.muli %add3A_281, %mul3A_282 : i32
      %dma_start3A_284 = arith.constant 1 : i32
      %dma_start3A_285 = arith.constant 1 : i32
      %dma_start3A_286 = arith.constant 0 : i32
      %dma_start3A_287 = arith.constant 0 : i32
      %dma_start3A_288 = tpu.memref_slice %arg10[%dma_start3A_284, %dma_start3A_286, %dma_start3A_287] : memref<2x96x128xf32, #tpu.memory_space<vmem>> -> memref<1x88x128xf32, #tpu.memory_space<vmem>>
      %dma_start3A_289 = tpu.memref_squeeze %dma_start3A_288 : memref<1x88x128xf32, #tpu.memory_space<vmem>> -> memref<88x128xf32, #tpu.memory_space<vmem>>
      %dma_start3A_290 = tpu.memref_slice %arg8[%mul3A_283] : memref<10032xi32, #tpu.memory_space<vmem>> -> memref<88xi32, #tpu.memory_space<vmem>>
      %dma_start3A_291 = arith.constant 0 : i32
      %dma_start3A_292 = arith.constant 0 : i32
      %dma_start3A_293 = tpu.memref_slice %arg2[%dma_start3A_291, %dma_start3A_292] : memref<10000x128xf32, #tpu.memory_space<hbm>> -> memref<10000x128xf32, #tpu.memory_space<hbm>>
      %dma_start3A_294 = tpu.memref_slice %arg11[%dma_start3A_285] : memref<2x!tpu.dma_semaphore, #tpu.memory_space<semaphore_mem>> -> memref<1x!tpu.dma_semaphore, #tpu.memory_space<semaphore_mem>>
      %dma_start3A_295 = tpu.memref_squeeze %dma_start3A_294 : memref<1x!tpu.dma_semaphore, #tpu.memory_space<semaphore_mem>> -> memref<!tpu.dma_semaphore, #tpu.memory_space<semaphore_mem>>
      tpu.enqueue_indirect_dma source(%dma_start3A_293 : memref<10000x128xf32, #tpu.memory_space<hbm>>) target(%dma_start3A_289 : memref<88x128xf32, #tpu.memory_space<vmem>>) offsets(%dma_start3A_290 : memref<88xi32, #tpu.memory_space<vmem>>) semaphore(%dma_start3A_295 : memref<!tpu.dma_semaphore, #tpu.memory_space<semaphore_mem>>)
    }
    %scan3A_67 = arith.constant 56 : i32
    %dma_wait3A_68 = arith.constant 0 : i32
    %dma_wait3A_69 = arith.constant 0 : i32
    %dma_wait3A_70 = arith.constant 0 : i32
    %dma_wait3A_71 = arith.constant 0 : i32
    %dma_wait3A_72 = tpu.memref_slice %arg10[%dma_wait3A_68, %dma_wait3A_70, %dma_wait3A_71] : memref<2x96x128xf32, #tpu.memory_space<vmem>> -> memref<1x88x128xf32, #tpu.memory_space<vmem>>
    %dma_wait3A_73 = tpu.memref_squeeze %dma_wait3A_72 : memref<1x88x128xf32, #tpu.memory_space<vmem>> -> memref<88x128xf32, #tpu.memory_space<vmem>>
    %dma_wait3A_74 = arith.constant 0 : i32
    %dma_wait3A_75 = arith.constant 0 : i32
    %dma_wait3A_76 = tpu.memref_slice %arg5[%dma_wait3A_74, %dma_wait3A_75] : memref<10112x128xf32, #tpu.memory_space<hbm>> -> memref<88x128xf32, #tpu.memory_space<hbm>>
    %dma_wait3A_77 = tpu.memref_slice %arg11[%dma_wait3A_69] : memref<2x!tpu.dma_semaphore, #tpu.memory_space<semaphore_mem>> -> memref<1x!tpu.dma_semaphore, #tpu.memory_space<semaphore_mem>>
    %dma_wait3A_78 = tpu.memref_squeeze %dma_wait3A_77 : memref<1x!tpu.dma_semaphore, #tpu.memory_space<semaphore_mem>> -> memref<!tpu.dma_semaphore, #tpu.memory_space<semaphore_mem>>
    %dma_wait3A_79 = arith.constant 0 : i32
    %dma_wait3A_80 = arith.constant 0 : i32
    %dma_wait3A_81 = tpu.memref_slice %arg10[%dma_wait3A_68, %dma_wait3A_79, %dma_wait3A_80] : memref<2x96x128xf32, #tpu.memory_space<vmem>> -> memref<1x88x128xf32, #tpu.memory_space<vmem>>
    %dma_wait3A_82 = tpu.memref_squeeze %dma_wait3A_81 : memref<1x88x128xf32, #tpu.memory_space<vmem>> -> memref<88x128xf32, #tpu.memory_space<vmem>>
    %dma_wait3A_83 = arith.constant 0 : i32
    %dma_wait3A_84 = arith.constant 0 : i32
    %dma_wait3A_85 = tpu.memref_slice %arg5[%dma_wait3A_83, %dma_wait3A_84] : memref<10112x128xf32, #tpu.memory_space<hbm>> -> memref<88x128xf32, #tpu.memory_space<hbm>>
    tpu.wait_dma2 semaphore(%dma_wait3A_78 : memref<!tpu.dma_semaphore, #tpu.memory_space<semaphore_mem>>) src(%dma_wait3A_85 : memref<88x128xf32, #tpu.memory_space<hbm>>) dst(%dma_wait3A_82 : memref<88x128xf32, #tpu.memory_space<vmem>>)
    %dma_start3A_86 = arith.constant 0 : i32
    %dma_start3A_87 = arith.constant 112 : i32
    %dma_start3A_88 = arith.constant 0 : i32
    %dma_start3A_89 = arith.constant 0 : i32
    %dma_start3A_90 = arith.constant 0 : i32
    %dma_start3A_91 = tpu.memref_slice %arg10[%dma_start3A_86, %dma_start3A_89, %dma_start3A_90] : memref<2x96x128xf32, #tpu.memory_space<vmem>> -> memref<1x88x128xf32, #tpu.memory_space<vmem>>
    %dma_start3A_92 = tpu.memref_squeeze %dma_start3A_91 : memref<1x88x128xf32, #tpu.memory_space<vmem>> -> memref<88x128xf32, #tpu.memory_space<vmem>>
    %dma_start3A_93 = arith.constant 0 : i32
    %dma_start3A_94 = tpu.memref_slice %arg9[%dma_start3A_87, %dma_start3A_93] : memref<114x88xi32, #tpu.memory_space<vmem>> -> memref<1x88xi32, #tpu.memory_space<vmem>>
    %dma_start3A_95 = tpu.memref_squeeze %dma_start3A_94 : memref<1x88xi32, #tpu.memory_space<vmem>> -> memref<88xi32, #tpu.memory_space<vmem>>
    %dma_start3A_96 = arith.constant 0 : i32
    %dma_start3A_97 = arith.constant 0 : i32
    %dma_start3A_98 = tpu.memref_slice %arg7[%dma_start3A_96, %dma_start3A_97] : memref<10112x128xf32, #tpu.memory_space<vmem_shared>> -> memref<10112x128xf32, #tpu.memory_space<vmem_shared>>
    %dma_start3A_99 = tpu.memref_slice %arg12[%dma_start3A_88] : memref<2x!tpu.dma_semaphore, #tpu.memory_space<semaphore_mem>> -> memref<1x!tpu.dma_semaphore, #tpu.memory_space<semaphore_mem>>
    %dma_start3A_100 = tpu.memref_squeeze %dma_start3A_99 : memref<1x!tpu.dma_semaphore, #tpu.memory_space<semaphore_mem>> -> memref<!tpu.dma_semaphore, #tpu.memory_space<semaphore_mem>>
    tpu.enqueue_indirect_dma source(%dma_start3A_92 : memref<88x128xf32, #tpu.memory_space<vmem>>) target(%dma_start3A_98 : memref<10112x128xf32, #tpu.memory_space<vmem_shared>>) offsets(%dma_start3A_95 : memref<88xi32, #tpu.memory_space<vmem>>) semaphore(%dma_start3A_100 : memref<!tpu.dma_semaphore, #tpu.memory_space<semaphore_mem>>) {add = true}
    %dma_wait3A_101 = arith.constant 0 : i32
    %dma_wait3A_102 = arith.constant 112 : i32
    %dma_wait3A_103 = arith.constant 0 : i32
    %dma_wait3A_104 = arith.constant 0 : i32
    %dma_wait3A_105 = arith.constant 0 : i32
    %dma_wait3A_106 = tpu.memref_slice %arg10[%dma_wait3A_101, %dma_wait3A_104, %dma_wait3A_105] : memref<2x96x128xf32, #tpu.memory_space<vmem>> -> memref<1x88x128xf32, #tpu.memory_space<vmem>>
    %dma_wait3A_107 = tpu.memref_squeeze %dma_wait3A_106 : memref<1x88x128xf32, #tpu.memory_space<vmem>> -> memref<88x128xf32, #tpu.memory_space<vmem>>
    %dma_wait3A_108 = arith.constant 0 : i32
    %dma_wait3A_109 = tpu.memref_slice %arg9[%dma_wait3A_102, %dma_wait3A_108] : memref<114x88xi32, #tpu.memory_space<vmem>> -> memref<1x88xi32, #tpu.memory_space<vmem>>
    %dma_wait3A_110 = tpu.memref_squeeze %dma_wait3A_109 : memref<1x88xi32, #tpu.memory_space<vmem>> -> memref<88xi32, #tpu.memory_space<vmem>>
    %dma_wait3A_111 = arith.constant 0 : i32
    %dma_wait3A_112 = arith.constant 0 : i32
    %dma_wait3A_113 = tpu.memref_slice %arg7[%dma_wait3A_111, %dma_wait3A_112] : memref<10112x128xf32, #tpu.memory_space<vmem_shared>> -> memref<10112x128xf32, #tpu.memory_space<vmem_shared>>
    %dma_wait3A_114 = tpu.memref_slice %arg12[%dma_wait3A_103] : memref<2x!tpu.dma_semaphore, #tpu.memory_space<semaphore_mem>> -> memref<1x!tpu.dma_semaphore, #tpu.memory_space<semaphore_mem>>
    %dma_wait3A_115 = tpu.memref_squeeze %dma_wait3A_114 : memref<1x!tpu.dma_semaphore, #tpu.memory_space<semaphore_mem>> -> memref<!tpu.dma_semaphore, #tpu.memory_space<semaphore_mem>>
    tpu.wait_indirect_dma semaphore(%dma_wait3A_115 : memref<!tpu.dma_semaphore, #tpu.memory_space<semaphore_mem>>) src(%dma_wait3A_107 : memref<88x128xf32, #tpu.memory_space<vmem>>) dst(%dma_wait3A_113 : memref<10112x128xf32, #tpu.memory_space<vmem_shared>>)
    %dma_wait3A_116 = arith.constant 1 : i32
    %dma_wait3A_117 = arith.constant 1 : i32
    %dma_wait3A_118 = arith.constant 0 : i32
    %dma_wait3A_119 = arith.constant 0 : i32
    %dma_wait3A_120 = tpu.memref_slice %arg10[%dma_wait3A_116, %dma_wait3A_118, %dma_wait3A_119] : memref<2x96x128xf32, #tpu.memory_space<vmem>> -> memref<1x88x128xf32, #tpu.memory_space<vmem>>
    %dma_wait3A_121 = tpu.memref_squeeze %dma_wait3A_120 : memref<1x88x128xf32, #tpu.memory_space<vmem>> -> memref<88x128xf32, #tpu.memory_space<vmem>>
    %dma_wait3A_122 = arith.constant 0 : i32
    %dma_wait3A_123 = arith.constant 0 : i32
    %dma_wait3A_124 = tpu.memref_slice %arg5[%dma_wait3A_122, %dma_wait3A_123] : memref<10112x128xf32, #tpu.memory_space<hbm>> -> memref<88x128xf32, #tpu.memory_space<hbm>>
    %dma_wait3A_125 = tpu.memref_slice %arg11[%dma_wait3A_117] : memref<2x!tpu.dma_semaphore, #tpu.memory_space<semaphore_mem>> -> memref<1x!tpu.dma_semaphore, #tpu.memory_space<semaphore_mem>>
    %dma_wait3A_126 = tpu.memref_squeeze %dma_wait3A_125 : memref<1x!tpu.dma_semaphore, #tpu.memory_space<semaphore_mem>> -> memref<!tpu.dma_semaphore, #tpu.memory_space<semaphore_mem>>
    %dma_wait3A_127 = arith.constant 0 : i32
    %dma_wait3A_128 = arith.constant 0 : i32
    %dma_wait3A_129 = tpu.memref_slice %arg10[%dma_wait3A_116, %dma_wait3A_127, %dma_wait3A_128] : memref<2x96x128xf32, #tpu.memory_space<vmem>> -> memref<1x88x128xf32, #tpu.memory_space<vmem>>
    %dma_wait3A_130 = tpu.memref_squeeze %dma_wait3A_129 : memref<1x88x128xf32, #tpu.memory_space<vmem>> -> memref<88x128xf32, #tpu.memory_space<vmem>>
    %dma_wait3A_131 = arith.constant 0 : i32
    %dma_wait3A_132 = arith.constant 0 : i32
    %dma_wait3A_133 = tpu.memref_slice %arg5[%dma_wait3A_131, %dma_wait3A_132] : memref<10112x128xf32, #tpu.memory_space<hbm>> -> memref<88x128xf32, #tpu.memory_space<hbm>>
    tpu.wait_dma2 semaphore(%dma_wait3A_126 : memref<!tpu.dma_semaphore, #tpu.memory_space<semaphore_mem>>) src(%dma_wait3A_133 : memref<88x128xf32, #tpu.memory_space<hbm>>) dst(%dma_wait3A_130 : memref<88x128xf32, #tpu.memory_space<vmem>>)
    %dma_start3A_134 = arith.constant 1 : i32
    %dma_start3A_135 = arith.constant 113 : i32
    %dma_start3A_136 = arith.constant 1 : i32
    %dma_start3A_137 = arith.constant 0 : i32
    %dma_start3A_138 = arith.constant 0 : i32
    %dma_start3A_139 = tpu.memref_slice %arg10[%dma_start3A_134, %dma_start3A_137, %dma_start3A_138] : memref<2x96x128xf32, #tpu.memory_space<vmem>> -> memref<1x88x128xf32, #tpu.memory_space<vmem>>
    %dma_start3A_140 = tpu.memref_squeeze %dma_start3A_139 : memref<1x88x128xf32, #tpu.memory_space<vmem>> -> memref<88x128xf32, #tpu.memory_space<vmem>>
    %dma_start3A_141 = arith.constant 0 : i32
    %dma_start3A_142 = tpu.memref_slice %arg9[%dma_start3A_135, %dma_start3A_141] : memref<114x88xi32, #tpu.memory_space<vmem>> -> memref<1x88xi32, #tpu.memory_space<vmem>>
    %dma_start3A_143 = tpu.memref_squeeze %dma_start3A_142 : memref<1x88xi32, #tpu.memory_space<vmem>> -> memref<88xi32, #tpu.memory_space<vmem>>
    %dma_start3A_144 = arith.constant 0 : i32
    %dma_start3A_145 = arith.constant 0 : i32
    %dma_start3A_146 = tpu.memref_slice %arg7[%dma_start3A_144, %dma_start3A_145] : memref<10112x128xf32, #tpu.memory_space<vmem_shared>> -> memref<10112x128xf32, #tpu.memory_space<vmem_shared>>
    %dma_start3A_147 = tpu.memref_slice %arg12[%dma_start3A_136] : memref<2x!tpu.dma_semaphore, #tpu.memory_space<semaphore_mem>> -> memref<1x!tpu.dma_semaphore, #tpu.memory_space<semaphore_mem>>
    %dma_start3A_148 = tpu.memref_squeeze %dma_start3A_147 : memref<1x!tpu.dma_semaphore, #tpu.memory_space<semaphore_mem>> -> memref<!tpu.dma_semaphore, #tpu.memory_space<semaphore_mem>>
    tpu.enqueue_indirect_dma source(%dma_start3A_140 : memref<88x128xf32, #tpu.memory_space<vmem>>) target(%dma_start3A_146 : memref<10112x128xf32, #tpu.memory_space<vmem_shared>>) offsets(%dma_start3A_143 : memref<88xi32, #tpu.memory_space<vmem>>) semaphore(%dma_start3A_148 : memref<!tpu.dma_semaphore, #tpu.memory_space<semaphore_mem>>) {add = true}
    %dma_wait3A_149 = arith.constant 1 : i32
    %dma_wait3A_150 = arith.constant 113 : i32
    %dma_wait3A_151 = arith.constant 1 : i32
    %dma_wait3A_152 = arith.constant 0 : i32
    %dma_wait3A_153 = arith.constant 0 : i32
    %dma_wait3A_154 = tpu.memref_slice %arg10[%dma_wait3A_149, %dma_wait3A_152, %dma_wait3A_153] : memref<2x96x128xf32, #tpu.memory_space<vmem>> -> memref<1x88x128xf32, #tpu.memory_space<vmem>>
    %dma_wait3A_155 = tpu.memref_squeeze %dma_wait3A_154 : memref<1x88x128xf32, #tpu.memory_space<vmem>> -> memref<88x128xf32, #tpu.memory_space<vmem>>
    %dma_wait3A_156 = arith.constant 0 : i32
    %dma_wait3A_157 = tpu.memref_slice %arg9[%dma_wait3A_150, %dma_wait3A_156] : memref<114x88xi32, #tpu.memory_space<vmem>> -> memref<1x88xi32, #tpu.memory_space<vmem>>
    %dma_wait3A_158 = tpu.memref_squeeze %dma_wait3A_157 : memref<1x88xi32, #tpu.memory_space<vmem>> -> memref<88xi32, #tpu.memory_space<vmem>>
    %dma_wait3A_159 = arith.constant 0 : i32
    %dma_wait3A_160 = arith.constant 0 : i32
    %dma_wait3A_161 = tpu.memref_slice %arg7[%dma_wait3A_159, %dma_wait3A_160] : memref<10112x128xf32, #tpu.memory_space<vmem_shared>> -> memref<10112x128xf32, #tpu.memory_space<vmem_shared>>
    %dma_wait3A_162 = tpu.memref_slice %arg12[%dma_wait3A_151] : memref<2x!tpu.dma_semaphore, #tpu.memory_space<semaphore_mem>> -> memref<1x!tpu.dma_semaphore, #tpu.memory_space<semaphore_mem>>
    %dma_wait3A_163 = tpu.memref_squeeze %dma_wait3A_162 : memref<1x!tpu.dma_semaphore, #tpu.memory_space<semaphore_mem>> -> memref<!tpu.dma_semaphore, #tpu.memory_space<semaphore_mem>>
    tpu.wait_indirect_dma semaphore(%dma_wait3A_163 : memref<!tpu.dma_semaphore, #tpu.memory_space<semaphore_mem>>) src(%dma_wait3A_155 : memref<88x128xf32, #tpu.memory_space<vmem>>) dst(%dma_wait3A_161 : memref<10112x128xf32, #tpu.memory_space<vmem_shared>>)
    %barrier3A_164 = arith.constant 0 : index
    tpu.barrier barrier_id(%barrier3A_164)
    "tpu.region"() ({
      %run_scoped3A = tpu.sem_alloc : memref<!tpu.dma_semaphore, #tpu.memory_space<semaphore_mem>>
      %dma_start3A_165 = arith.constant 0 : i32
      %dma_start3A_166 = tpu.memref_slice %arg6[%arg0, %mul3A_2, %dma_start3A_165] : memref<2x10112x128xf32, #tpu.memory_space<hbm>> -> memref<1x632x128xf32, #tpu.memory_space<hbm>>
      %dma_start3A_167 = tpu.memref_squeeze %dma_start3A_166 : memref<1x632x128xf32, #tpu.memory_space<hbm>> -> memref<632x128xf32, #tpu.memory_space<hbm>>
      %dma_start3A_168 = arith.constant 0 : i32
      %dma_start3A_169 = tpu.memref_slice %arg7[%mul3A_2, %dma_start3A_168] : memref<10112x128xf32, #tpu.memory_space<vmem_shared>> -> memref<632x128xf32, #tpu.memory_space<vmem_shared>>
      tpu.enqueue_dma source(%dma_start3A_169 : memref<632x128xf32, #tpu.memory_space<vmem_shared>>) target(%dma_start3A_167 : memref<632x128xf32, #tpu.memory_space<hbm>>) target_semaphore(%run_scoped3A : memref<!tpu.dma_semaphore, #tpu.memory_space<semaphore_mem>>)
      %dma_wait3A_170 = arith.constant 0 : i32
      %dma_wait3A_171 = tpu.memref_slice %arg6[%arg0, %mul3A_2, %dma_wait3A_170] : memref<2x10112x128xf32, #tpu.memory_space<hbm>> -> memref<1x632x128xf32, #tpu.memory_space<hbm>>
      %dma_wait3A_172 = tpu.memref_squeeze %dma_wait3A_171 : memref<1x632x128xf32, #tpu.memory_space<hbm>> -> memref<632x128xf32, #tpu.memory_space<hbm>>
      %dma_wait3A_173 = arith.constant 0 : i32
      %dma_wait3A_174 = tpu.memref_slice %arg7[%mul3A_2, %dma_wait3A_173] : memref<10112x128xf32, #tpu.memory_space<vmem_shared>> -> memref<632x128xf32, #tpu.memory_space<vmem_shared>>
      tpu.wait_dma2 semaphore(%run_scoped3A : memref<!tpu.dma_semaphore, #tpu.memory_space<semaphore_mem>>) src(%dma_wait3A_174 : memref<632x128xf32, #tpu.memory_space<vmem_shared>>) dst(%dma_wait3A_172 : memref<632x128xf32, #tpu.memory_space<hbm>>)
      tpu.yield
    }) : () -> ()
    return
  }
}

#map = affine_map<(d0, d1) -> (0, 0)>
#map1 = affine_map<(d0, d1) -> (0, 0, 0)>
module attributes {stable_mosaic.version = 14 : i64} {
  func.func @seg(%arg0: i32, %arg1: i32, %arg2: memref<10000x128xf32, #tpu.memory_space<hbm>>, %arg3: memref<32x10032xi32, #tpu.memory_space<hbm>>, %arg4: memref<32x114x88xi32, #tpu.memory_space<hbm>>, %arg5: memref<10112x128xf32, #tpu.memory_space<hbm>>, %arg6: memref<2x10112x128xf32, #tpu.memory_space<hbm>>, %arg7: memref<10112x128xf32, #tpu.memory_space<vmem_shared>>, %arg8: memref<10032xi32, #tpu.memory_space<vmem>>, %arg9: memref<114x88xi32, #tpu.memory_space<vmem>>, %arg10: memref<2x96x128xf32, #tpu.memory_space<vmem>>, %arg11: memref<2x!tpu.dma_semaphore, #tpu.memory_space<semaphore_mem>>, %arg12: memref<2x!tpu.dma_semaphore, #tpu.memory_space<semaphore_mem>>, %arg13: memref<!tpu.dma_semaphore, #tpu.memory_space<semaphore_mem>>) attributes {dimension_semantics = [#tpu.dimension_semantics<core_parallel>, #tpu.dimension_semantics<subcore_parallel>], iteration_bounds = array<i64: 2, 16>, scalar_prefetch = 0 : i64, scratch_operands = 7 : i64, tpu.core_type = #tpu.core_type<sc_vector_subcore>, window_params = [{transform_indices = #map}, {transform_indices = #map}, {transform_indices = #map1}, {transform_indices = #map}, {transform_indices = #map1}]} {
    %mul3A = arith.constant 2 : i32
    %mul3A_0 = arith.muli %arg1, %mul3A : i32
    %add3A = arith.addi %mul3A_0, %arg0 : i32
    %mul3A_1 = arith.constant 632 : i32
    %mul3A_2 = arith.muli %arg1, %mul3A_1 : i32
    %dma_start3A = arith.constant 0 : i32
    %dma_start3A_3 = tpu.memref_slice %arg7[%mul3A_2, %dma_start3A] : memref<10112x128xf32, #tpu.memory_space<vmem_shared>> -> memref<632x128xf32, #tpu.memory_space<vmem_shared>>
    %dma_start3A_4 = arith.constant 0 : i32
    %dma_start3A_5 = tpu.memref_slice %arg5[%mul3A_2, %dma_start3A_4] : memref<10112x128xf32, #tpu.memory_space<hbm>> -> memref<632x128xf32, #tpu.memory_space<hbm>>
    tpu.enqueue_dma source(%dma_start3A_5 : memref<632x128xf32, #tpu.memory_space<hbm>>) target(%dma_start3A_3 : memref<632x128xf32, #tpu.memory_space<vmem_shared>>) target_semaphore(%arg13 : memref<!tpu.dma_semaphore, #tpu.memory_space<semaphore_mem>>)
    %dma_start3A_6 = arith.constant 0 : i32
    %dma_start3A_7 = tpu.memref_slice %arg3[%add3A, %dma_start3A_6] : memref<32x10032xi32, #tpu.memory_space<hbm>> -> memref<1x10032xi32, #tpu.memory_space<hbm>>
    %dma_start3A_8 = tpu.memref_squeeze %dma_start3A_7 : memref<1x10032xi32, #tpu.memory_space<hbm>> -> memref<10032xi32, #tpu.memory_space<hbm>>
    %dma_start3A_9 = arith.constant 0 : i32
    %dma_start3A_10 = tpu.memref_slice %arg3[%add3A, %dma_start3A_9] : memref<32x10032xi32, #tpu.memory_space<hbm>> -> memref<1x10032xi32, #tpu.memory_space<hbm>>
    %dma_start3A_11 = tpu.memref_squeeze %dma_start3A_10 : memref<1x10032xi32, #tpu.memory_space<hbm>> -> memref<10032xi32, #tpu.memory_space<hbm>>
    tpu.enqueue_dma source(%dma_start3A_11 : memref<10032xi32, #tpu.memory_space<hbm>>) target(%arg8 : memref<10032xi32, #tpu.memory_space<vmem>>) target_semaphore(%arg13 : memref<!tpu.dma_semaphore, #tpu.memory_space<semaphore_mem>>)
    %dma_start3A_12 = arith.constant 0 : i32
    %dma_start3A_13 = arith.constant 0 : i32
    %dma_start3A_14 = tpu.memref_slice %arg4[%add3A, %dma_start3A_12, %dma_start3A_13] : memref<32x114x88xi32, #tpu.memory_space<hbm>> -> memref<1x114x88xi32, #tpu.memory_space<hbm>>
    %dma_start3A_15 = tpu.memref_squeeze %dma_start3A_14 : memref<1x114x88xi32, #tpu.memory_space<hbm>> -> memref<114x88xi32, #tpu.memory_space<hbm>>
    %dma_start3A_16 = arith.constant 0 : i32
    %dma_start3A_17 = arith.constant 0 : i32
    %dma_start3A_18 = tpu.memref_slice %arg4[%add3A, %dma_start3A_16, %dma_start3A_17] : memref<32x114x88xi32, #tpu.memory_space<hbm>> -> memref<1x114x88xi32, #tpu.memory_space<hbm>>
    %dma_start3A_19 = tpu.memref_squeeze %dma_start3A_18 : memref<1x114x88xi32, #tpu.memory_space<hbm>> -> memref<114x88xi32, #tpu.memory_space<hbm>>
    tpu.enqueue_dma source(%dma_start3A_19 : memref<114x88xi32, #tpu.memory_space<hbm>>) target(%arg9 : memref<114x88xi32, #tpu.memory_space<vmem>>) target_semaphore(%arg13 : memref<!tpu.dma_semaphore, #tpu.memory_space<semaphore_mem>>)
    %dma_wait3A = arith.constant 0 : i32
    %dma_wait3A_20 = tpu.memref_slice %arg7[%mul3A_2, %dma_wait3A] : memref<10112x128xf32, #tpu.memory_space<vmem_shared>> -> memref<632x128xf32, #tpu.memory_space<vmem_shared>>
    %dma_wait3A_21 = arith.constant 0 : i32
    %dma_wait3A_22 = tpu.memref_slice %arg5[%mul3A_2, %dma_wait3A_21] : memref<10112x128xf32, #tpu.memory_space<hbm>> -> memref<632x128xf32, #tpu.memory_space<hbm>>
    tpu.wait_dma2 semaphore(%arg13 : memref<!tpu.dma_semaphore, #tpu.memory_space<semaphore_mem>>) src(%dma_wait3A_22 : memref<632x128xf32, #tpu.memory_space<hbm>>) dst(%dma_wait3A_20 : memref<632x128xf32, #tpu.memory_space<vmem_shared>>)
    %dma_wait3A_23 = arith.constant 0 : i32
    %dma_wait3A_24 = tpu.memref_slice %arg3[%add3A, %dma_wait3A_23] : memref<32x10032xi32, #tpu.memory_space<hbm>> -> memref<1x10032xi32, #tpu.memory_space<hbm>>
    %dma_wait3A_25 = tpu.memref_squeeze %dma_wait3A_24 : memref<1x10032xi32, #tpu.memory_space<hbm>> -> memref<10032xi32, #tpu.memory_space<hbm>>
    %dma_wait3A_26 = arith.constant 0 : i32
    %dma_wait3A_27 = tpu.memref_slice %arg3[%add3A, %dma_wait3A_26] : memref<32x10032xi32, #tpu.memory_space<hbm>> -> memref<1x10032xi32, #tpu.memory_space<hbm>>
    %dma_wait3A_28 = tpu.memref_squeeze %dma_wait3A_27 : memref<1x10032xi32, #tpu.memory_space<hbm>> -> memref<10032xi32, #tpu.memory_space<hbm>>
    tpu.wait_dma2 semaphore(%arg13 : memref<!tpu.dma_semaphore, #tpu.memory_space<semaphore_mem>>) src(%dma_wait3A_28 : memref<10032xi32, #tpu.memory_space<hbm>>) dst(%arg8 : memref<10032xi32, #tpu.memory_space<vmem>>)
    %dma_wait3A_29 = arith.constant 0 : i32
    %dma_wait3A_30 = arith.constant 0 : i32
    %dma_wait3A_31 = tpu.memref_slice %arg4[%add3A, %dma_wait3A_29, %dma_wait3A_30] : memref<32x114x88xi32, #tpu.memory_space<hbm>> -> memref<1x114x88xi32, #tpu.memory_space<hbm>>
    %dma_wait3A_32 = tpu.memref_squeeze %dma_wait3A_31 : memref<1x114x88xi32, #tpu.memory_space<hbm>> -> memref<114x88xi32, #tpu.memory_space<hbm>>
    %dma_wait3A_33 = arith.constant 0 : i32
    %dma_wait3A_34 = arith.constant 0 : i32
    %dma_wait3A_35 = tpu.memref_slice %arg4[%add3A, %dma_wait3A_33, %dma_wait3A_34] : memref<32x114x88xi32, #tpu.memory_space<hbm>> -> memref<1x114x88xi32, #tpu.memory_space<hbm>>
    %dma_wait3A_36 = tpu.memref_squeeze %dma_wait3A_35 : memref<1x114x88xi32, #tpu.memory_space<hbm>> -> memref<114x88xi32, #tpu.memory_space<hbm>>
    tpu.wait_dma2 semaphore(%arg13 : memref<!tpu.dma_semaphore, #tpu.memory_space<semaphore_mem>>) src(%dma_wait3A_36 : memref<114x88xi32, #tpu.memory_space<hbm>>) dst(%arg9 : memref<114x88xi32, #tpu.memory_space<vmem>>)
    %barrier3A = arith.constant 0 : index
    tpu.barrier barrier_id(%barrier3A)
    %dma_start3A_37 = arith.constant 0 : i32
    %dma_start3A_38 = arith.constant 0 : i32
    %dma_start3A_39 = arith.constant 0 : i32
    %dma_start3A_40 = arith.constant 0 : i32
    %dma_start3A_41 = tpu.memref_slice %arg10[%dma_start3A_37, %dma_start3A_39, %dma_start3A_40] : memref<2x96x128xf32, #tpu.memory_space<vmem>> -> memref<1x88x128xf32, #tpu.memory_space<vmem>>
    %dma_start3A_42 = tpu.memref_squeeze %dma_start3A_41 : memref<1x88x128xf32, #tpu.memory_space<vmem>> -> memref<88x128xf32, #tpu.memory_space<vmem>>
    %dma_start3A_43 = arith.constant 0 : i32
    %dma_start3A_44 = tpu.memref_slice %arg8[%dma_start3A_43] : memref<10032xi32, #tpu.memory_space<vmem>> -> memref<88xi32, #tpu.memory_space<vmem>>
    %dma_start3A_45 = arith.constant 0 : i32
    %dma_start3A_46 = arith.constant 0 : i32
    %dma_start3A_47 = tpu.memref_slice %arg2[%dma_start3A_45, %dma_start3A_46] : memref<10000x128xf32, #tpu.memory_space<hbm>> -> memref<10000x128xf32, #tpu.memory_space<hbm>>
    %dma_start3A_48 = tpu.memref_slice %arg11[%dma_start3A_38] : memref<2x!tpu.dma_semaphore, #tpu.memory_space<semaphore_mem>> -> memref<1x!tpu.dma_semaphore, #tpu.memory_space<semaphore_mem>>
    %dma_start3A_49 = tpu.memref_squeeze %dma_start3A_48 : memref<1x!tpu.dma_semaphore, #tpu.memory_space<semaphore_mem>> -> memref<!tpu.dma_semaphore, #tpu.memory_space<semaphore_mem>>
    tpu.enqueue_indirect_dma source(%dma_start3A_47 : memref<10000x128xf32, #tpu.memory_space<hbm>>) target(%dma_start3A_42 : memref<88x128xf32, #tpu.memory_space<vmem>>) offsets(%dma_start3A_44 : memref<88xi32, #tpu.memory_space<vmem>>) semaphore(%dma_start3A_49 : memref<!tpu.dma_semaphore, #tpu.memory_space<semaphore_mem>>)
    %dma_start3A_50 = arith.constant 1 : i32
    %dma_start3A_51 = arith.constant 1 : i32
    %dma_start3A_52 = arith.constant 0 : i32
    %dma_start3A_53 = arith.constant 0 : i32
    %dma_start3A_54 = tpu.memref_slice %arg10[%dma_start3A_50, %dma_start3A_52, %dma_start3A_53] : memref<2x96x128xf32, #tpu.memory_space<vmem>> -> memref<1x88x128xf32, #tpu.memory_space<vmem>>
    %dma_start3A_55 = tpu.memref_squeeze %dma_start3A_54 : memref<1x88x128xf32, #tpu.memory_space<vmem>> -> memref<88x128xf32, #tpu.memory_space<vmem>>
    %dma_start3A_56 = arith.constant 88 : i32
    %dma_start3A_57 = tpu.memref_slice %arg8[%dma_start3A_56] : memref<10032xi32, #tpu.memory_space<vmem>> -> memref<88xi32, #tpu.memory_space<vmem>>
    %dma_start3A_58 = arith.constant 0 : i32
    %dma_start3A_59 = arith.constant 0 : i32
    %dma_start3A_60 = tpu.memref_slice %arg2[%dma_start3A_58, %dma_start3A_59] : memref<10000x128xf32, #tpu.memory_space<hbm>> -> memref<10000x128xf32, #tpu.memory_space<hbm>>
    %dma_start3A_61 = tpu.memref_slice %arg11[%dma_start3A_51] : memref<2x!tpu.dma_semaphore, #tpu.memory_space<semaphore_mem>> -> memref<1x!tpu.dma_semaphore, #tpu.memory_space<semaphore_mem>>
    %dma_start3A_62 = tpu.memref_squeeze %dma_start3A_61 : memref<1x!tpu.dma_semaphore, #tpu.memory_space<semaphore_mem>> -> memref<!tpu.dma_semaphore, #tpu.memory_space<semaphore_mem>>
    tpu.enqueue_indirect_dma source(%dma_start3A_60 : memref<10000x128xf32, #tpu.memory_space<hbm>>) target(%dma_start3A_55 : memref<88x128xf32, #tpu.memory_space<vmem>>) offsets(%dma_start3A_57 : memref<88xi32, #tpu.memory_space<vmem>>) semaphore(%dma_start3A_62 : memref<!tpu.dma_semaphore, #tpu.memory_space<semaphore_mem>>)
    %scan3A = arith.constant 0 : i32
    %scan3A_63 = arith.constant 0 : i32
    %scan3A_64 = arith.constant 56 : i32
    %scan3A_65 = arith.addi %scan3A_63, %scan3A_64 : i32
    %scan3A_66 = arith.constant 1 : i32
    scf.for %scan3A_165 = %scan3A_63 to %scan3A_65 step %scan3A_66  : i32 {
      %mul3A_166 = arith.constant 2 : i32
      %mul3A_167 = arith.muli %scan3A_165, %mul3A_166 : i32
      %add3A_168 = arith.constant 0 : i32
      %add3A_169 = arith.addi %mul3A_167, %add3A_168 : i32
      %dma_wait3A_170 = arith.constant 0 : i32
      %dma_wait3A_171 = arith.constant 0 : i32
      %dma_wait3A_172 = arith.constant 0 : i32
      %dma_wait3A_173 = arith.constant 0 : i32
      %dma_wait3A_174 = tpu.memref_slice %arg10[%dma_wait3A_170, %dma_wait3A_172, %dma_wait3A_173] : memref<2x96x128xf32, #tpu.memory_space<vmem>> -> memref<1x88x128xf32, #tpu.memory_space<vmem>>
      %dma_wait3A_175 = tpu.memref_squeeze %dma_wait3A_174 : memref<1x88x128xf32, #tpu.memory_space<vmem>> -> memref<88x128xf32, #tpu.memory_space<vmem>>
      %dma_wait3A_176 = arith.constant 0 : i32
      %dma_wait3A_177 = arith.constant 0 : i32
      %dma_wait3A_178 = tpu.memref_slice %arg5[%dma_wait3A_176, %dma_wait3A_177] : memref<10112x128xf32, #tpu.memory_space<hbm>> -> memref<88x128xf32, #tpu.memory_space<hbm>>
      %dma_wait3A_179 = tpu.memref_slice %arg11[%dma_wait3A_171] : memref<2x!tpu.dma_semaphore, #tpu.memory_space<semaphore_mem>> -> memref<1x!tpu.dma_semaphore, #tpu.memory_space<semaphore_mem>>
      %dma_wait3A_180 = tpu.memref_squeeze %dma_wait3A_179 : memref<1x!tpu.dma_semaphore, #tpu.memory_space<semaphore_mem>> -> memref<!tpu.dma_semaphore, #tpu.memory_space<semaphore_mem>>
      %dma_wait3A_181 = arith.constant 0 : i32
      %dma_wait3A_182 = arith.constant 0 : i32
      %dma_wait3A_183 = tpu.memref_slice %arg10[%dma_wait3A_170, %dma_wait3A_181, %dma_wait3A_182] : memref<2x96x128xf32, #tpu.memory_space<vmem>> -> memref<1x88x128xf32, #tpu.memory_space<vmem>>
      %dma_wait3A_184 = tpu.memref_squeeze %dma_wait3A_183 : memref<1x88x128xf32, #tpu.memory_space<vmem>> -> memref<88x128xf32, #tpu.memory_space<vmem>>
      %dma_wait3A_185 = arith.constant 0 : i32
      %dma_wait3A_186 = arith.constant 0 : i32
      %dma_wait3A_187 = tpu.memref_slice %arg5[%dma_wait3A_185, %dma_wait3A_186] : memref<10112x128xf32, #tpu.memory_space<hbm>> -> memref<88x128xf32, #tpu.memory_space<hbm>>
      tpu.wait_dma2 semaphore(%dma_wait3A_180 : memref<!tpu.dma_semaphore, #tpu.memory_space<semaphore_mem>>) src(%dma_wait3A_187 : memref<88x128xf32, #tpu.memory_space<hbm>>) dst(%dma_wait3A_184 : memref<88x128xf32, #tpu.memory_space<vmem>>)
      %dma_start3A_188 = arith.constant 0 : i32
      %dma_start3A_189 = arith.constant 0 : i32
      %dma_start3A_190 = arith.constant 0 : i32
      %dma_start3A_191 = arith.constant 0 : i32
      %dma_start3A_192 = tpu.memref_slice %arg10[%dma_start3A_188, %dma_start3A_190, %dma_start3A_191] : memref<2x96x128xf32, #tpu.memory_space<vmem>> -> memref<1x88x128xf32, #tpu.memory_space<vmem>>
      %dma_start3A_193 = tpu.memref_squeeze %dma_start3A_192 : memref<1x88x128xf32, #tpu.memory_space<vmem>> -> memref<88x128xf32, #tpu.memory_space<vmem>>
      %dma_start3A_194 = arith.constant 0 : i32
      %dma_start3A_195 = tpu.memref_slice %arg9[%add3A_169, %dma_start3A_194] : memref<114x88xi32, #tpu.memory_space<vmem>> -> memref<1x88xi32, #tpu.memory_space<vmem>>
      %dma_start3A_196 = tpu.memref_squeeze %dma_start3A_195 : memref<1x88xi32, #tpu.memory_space<vmem>> -> memref<88xi32, #tpu.memory_space<vmem>>
      %dma_start3A_197 = arith.constant 0 : i32
      %dma_start3A_198 = arith.constant 0 : i32
      %dma_start3A_199 = tpu.memref_slice %arg7[%dma_start3A_197, %dma_start3A_198] : memref<10112x128xf32, #tpu.memory_space<vmem_shared>> -> memref<10112x128xf32, #tpu.memory_space<vmem_shared>>
      %dma_start3A_200 = tpu.memref_slice %arg12[%dma_start3A_189] : memref<2x!tpu.dma_semaphore, #tpu.memory_space<semaphore_mem>> -> memref<1x!tpu.dma_semaphore, #tpu.memory_space<semaphore_mem>>
      %dma_start3A_201 = tpu.memref_squeeze %dma_start3A_200 : memref<1x!tpu.dma_semaphore, #tpu.memory_space<semaphore_mem>> -> memref<!tpu.dma_semaphore, #tpu.memory_space<semaphore_mem>>
      tpu.enqueue_indirect_dma source(%dma_start3A_193 : memref<88x128xf32, #tpu.memory_space<vmem>>) target(%dma_start3A_199 : memref<10112x128xf32, #tpu.memory_space<vmem_shared>>) offsets(%dma_start3A_196 : memref<88xi32, #tpu.memory_space<vmem>>) semaphore(%dma_start3A_201 : memref<!tpu.dma_semaphore, #tpu.memory_space<semaphore_mem>>) {add = true}
      %dma_wait3A_202 = arith.constant 0 : i32
      %dma_wait3A_203 = arith.constant 0 : i32
      %dma_wait3A_204 = arith.constant 0 : i32
      %dma_wait3A_205 = arith.constant 0 : i32
      %dma_wait3A_206 = tpu.memref_slice %arg10[%dma_wait3A_202, %dma_wait3A_204, %dma_wait3A_205] : memref<2x96x128xf32, #tpu.memory_space<vmem>> -> memref<1x88x128xf32, #tpu.memory_space<vmem>>
      %dma_wait3A_207 = tpu.memref_squeeze %dma_wait3A_206 : memref<1x88x128xf32, #tpu.memory_space<vmem>> -> memref<88x128xf32, #tpu.memory_space<vmem>>
      %dma_wait3A_208 = arith.constant 0 : i32
      %dma_wait3A_209 = tpu.memref_slice %arg9[%add3A_169, %dma_wait3A_208] : memref<114x88xi32, #tpu.memory_space<vmem>> -> memref<1x88xi32, #tpu.memory_space<vmem>>
      %dma_wait3A_210 = tpu.memref_squeeze %dma_wait3A_209 : memref<1x88xi32, #tpu.memory_space<vmem>> -> memref<88xi32, #tpu.memory_space<vmem>>
      %dma_wait3A_211 = arith.constant 0 : i32
      %dma_wait3A_212 = arith.constant 0 : i32
      %dma_wait3A_213 = tpu.memref_slice %arg7[%dma_wait3A_211, %dma_wait3A_212] : memref<10112x128xf32, #tpu.memory_space<vmem_shared>> -> memref<10112x128xf32, #tpu.memory_space<vmem_shared>>
      %dma_wait3A_214 = tpu.memref_slice %arg12[%dma_wait3A_203] : memref<2x!tpu.dma_semaphore, #tpu.memory_space<semaphore_mem>> -> memref<1x!tpu.dma_semaphore, #tpu.memory_space<semaphore_mem>>
      %dma_wait3A_215 = tpu.memref_squeeze %dma_wait3A_214 : memref<1x!tpu.dma_semaphore, #tpu.memory_space<semaphore_mem>> -> memref<!tpu.dma_semaphore, #tpu.memory_space<semaphore_mem>>
      tpu.wait_indirect_dma semaphore(%dma_wait3A_215 : memref<!tpu.dma_semaphore, #tpu.memory_space<semaphore_mem>>) src(%dma_wait3A_207 : memref<88x128xf32, #tpu.memory_space<vmem>>) dst(%dma_wait3A_213 : memref<10112x128xf32, #tpu.memory_space<vmem_shared>>)
      %add3A_216 = arith.constant 2 : i32
      %add3A_217 = arith.addi %add3A_169, %add3A_216 : i32
      %mul3A_218 = arith.constant 88 : i32
      %mul3A_219 = arith.muli %add3A_217, %mul3A_218 : i32
      %dma_start3A_220 = arith.constant 0 : i32
      %dma_start3A_221 = arith.constant 0 : i32
      %dma_start3A_222 = arith.constant 0 : i32
      %dma_start3A_223 = arith.constant 0 : i32
      %dma_start3A_224 = tpu.memref_slice %arg10[%dma_start3A_220, %dma_start3A_222, %dma_start3A_223] : memref<2x96x128xf32, #tpu.memory_space<vmem>> -> memref<1x88x128xf32, #tpu.memory_space<vmem>>
      %dma_start3A_225 = tpu.memref_squeeze %dma_start3A_224 : memref<1x88x128xf32, #tpu.memory_space<vmem>> -> memref<88x128xf32, #tpu.memory_space<vmem>>
      %dma_start3A_226 = tpu.memref_slice %arg8[%mul3A_219] : memref<10032xi32, #tpu.memory_space<vmem>> -> memref<88xi32, #tpu.memory_space<vmem>>
      %dma_start3A_227 = arith.constant 0 : i32
      %dma_start3A_228 = arith.constant 0 : i32
      %dma_start3A_229 = tpu.memref_slice %arg2[%dma_start3A_227, %dma_start3A_228] : memref<10000x128xf32, #tpu.memory_space<hbm>> -> memref<10000x128xf32, #tpu.memory_space<hbm>>
      %dma_start3A_230 = tpu.memref_slice %arg11[%dma_start3A_221] : memref<2x!tpu.dma_semaphore, #tpu.memory_space<semaphore_mem>> -> memref<1x!tpu.dma_semaphore, #tpu.memory_space<semaphore_mem>>
      %dma_start3A_231 = tpu.memref_squeeze %dma_start3A_230 : memref<1x!tpu.dma_semaphore, #tpu.memory_space<semaphore_mem>> -> memref<!tpu.dma_semaphore, #tpu.memory_space<semaphore_mem>>
      tpu.enqueue_indirect_dma source(%dma_start3A_229 : memref<10000x128xf32, #tpu.memory_space<hbm>>) target(%dma_start3A_225 : memref<88x128xf32, #tpu.memory_space<vmem>>) offsets(%dma_start3A_226 : memref<88xi32, #tpu.memory_space<vmem>>) semaphore(%dma_start3A_231 : memref<!tpu.dma_semaphore, #tpu.memory_space<semaphore_mem>>)
      %add3A_232 = arith.constant 1 : i32
      %add3A_233 = arith.addi %mul3A_167, %add3A_232 : i32
      %dma_wait3A_234 = arith.constant 1 : i32
      %dma_wait3A_235 = arith.constant 1 : i32
      %dma_wait3A_236 = arith.constant 0 : i32
      %dma_wait3A_237 = arith.constant 0 : i32
      %dma_wait3A_238 = tpu.memref_slice %arg10[%dma_wait3A_234, %dma_wait3A_236, %dma_wait3A_237] : memref<2x96x128xf32, #tpu.memory_space<vmem>> -> memref<1x88x128xf32, #tpu.memory_space<vmem>>
      %dma_wait3A_239 = tpu.memref_squeeze %dma_wait3A_238 : memref<1x88x128xf32, #tpu.memory_space<vmem>> -> memref<88x128xf32, #tpu.memory_space<vmem>>
      %dma_wait3A_240 = arith.constant 0 : i32
      %dma_wait3A_241 = arith.constant 0 : i32
      %dma_wait3A_242 = tpu.memref_slice %arg5[%dma_wait3A_240, %dma_wait3A_241] : memref<10112x128xf32, #tpu.memory_space<hbm>> -> memref<88x128xf32, #tpu.memory_space<hbm>>
      %dma_wait3A_243 = tpu.memref_slice %arg11[%dma_wait3A_235] : memref<2x!tpu.dma_semaphore, #tpu.memory_space<semaphore_mem>> -> memref<1x!tpu.dma_semaphore, #tpu.memory_space<semaphore_mem>>
      %dma_wait3A_244 = tpu.memref_squeeze %dma_wait3A_243 : memref<1x!tpu.dma_semaphore, #tpu.memory_space<semaphore_mem>> -> memref<!tpu.dma_semaphore, #tpu.memory_space<semaphore_mem>>
      %dma_wait3A_245 = arith.constant 0 : i32
      %dma_wait3A_246 = arith.constant 0 : i32
      %dma_wait3A_247 = tpu.memref_slice %arg10[%dma_wait3A_234, %dma_wait3A_245, %dma_wait3A_246] : memref<2x96x128xf32, #tpu.memory_space<vmem>> -> memref<1x88x128xf32, #tpu.memory_space<vmem>>
      %dma_wait3A_248 = tpu.memref_squeeze %dma_wait3A_247 : memref<1x88x128xf32, #tpu.memory_space<vmem>> -> memref<88x128xf32, #tpu.memory_space<vmem>>
      %dma_wait3A_249 = arith.constant 0 : i32
      %dma_wait3A_250 = arith.constant 0 : i32
      %dma_wait3A_251 = tpu.memref_slice %arg5[%dma_wait3A_249, %dma_wait3A_250] : memref<10112x128xf32, #tpu.memory_space<hbm>> -> memref<88x128xf32, #tpu.memory_space<hbm>>
      tpu.wait_dma2 semaphore(%dma_wait3A_244 : memref<!tpu.dma_semaphore, #tpu.memory_space<semaphore_mem>>) src(%dma_wait3A_251 : memref<88x128xf32, #tpu.memory_space<hbm>>) dst(%dma_wait3A_248 : memref<88x128xf32, #tpu.memory_space<vmem>>)
      %dma_start3A_252 = arith.constant 1 : i32
      %dma_start3A_253 = arith.constant 1 : i32
      %dma_start3A_254 = arith.constant 0 : i32
      %dma_start3A_255 = arith.constant 0 : i32
      %dma_start3A_256 = tpu.memref_slice %arg10[%dma_start3A_252, %dma_start3A_254, %dma_start3A_255] : memref<2x96x128xf32, #tpu.memory_space<vmem>> -> memref<1x88x128xf32, #tpu.memory_space<vmem>>
      %dma_start3A_257 = tpu.memref_squeeze %dma_start3A_256 : memref<1x88x128xf32, #tpu.memory_space<vmem>> -> memref<88x128xf32, #tpu.memory_space<vmem>>
      %dma_start3A_258 = arith.constant 0 : i32
      %dma_start3A_259 = tpu.memref_slice %arg9[%add3A_233, %dma_start3A_258] : memref<114x88xi32, #tpu.memory_space<vmem>> -> memref<1x88xi32, #tpu.memory_space<vmem>>
      %dma_start3A_260 = tpu.memref_squeeze %dma_start3A_259 : memref<1x88xi32, #tpu.memory_space<vmem>> -> memref<88xi32, #tpu.memory_space<vmem>>
      %dma_start3A_261 = arith.constant 0 : i32
      %dma_start3A_262 = arith.constant 0 : i32
      %dma_start3A_263 = tpu.memref_slice %arg7[%dma_start3A_261, %dma_start3A_262] : memref<10112x128xf32, #tpu.memory_space<vmem_shared>> -> memref<10112x128xf32, #tpu.memory_space<vmem_shared>>
      %dma_start3A_264 = tpu.memref_slice %arg12[%dma_start3A_253] : memref<2x!tpu.dma_semaphore, #tpu.memory_space<semaphore_mem>> -> memref<1x!tpu.dma_semaphore, #tpu.memory_space<semaphore_mem>>
      %dma_start3A_265 = tpu.memref_squeeze %dma_start3A_264 : memref<1x!tpu.dma_semaphore, #tpu.memory_space<semaphore_mem>> -> memref<!tpu.dma_semaphore, #tpu.memory_space<semaphore_mem>>
      tpu.enqueue_indirect_dma source(%dma_start3A_257 : memref<88x128xf32, #tpu.memory_space<vmem>>) target(%dma_start3A_263 : memref<10112x128xf32, #tpu.memory_space<vmem_shared>>) offsets(%dma_start3A_260 : memref<88xi32, #tpu.memory_space<vmem>>) semaphore(%dma_start3A_265 : memref<!tpu.dma_semaphore, #tpu.memory_space<semaphore_mem>>) {add = true}
      %dma_wait3A_266 = arith.constant 1 : i32
      %dma_wait3A_267 = arith.constant 1 : i32
      %dma_wait3A_268 = arith.constant 0 : i32
      %dma_wait3A_269 = arith.constant 0 : i32
      %dma_wait3A_270 = tpu.memref_slice %arg10[%dma_wait3A_266, %dma_wait3A_268, %dma_wait3A_269] : memref<2x96x128xf32, #tpu.memory_space<vmem>> -> memref<1x88x128xf32, #tpu.memory_space<vmem>>
      %dma_wait3A_271 = tpu.memref_squeeze %dma_wait3A_270 : memref<1x88x128xf32, #tpu.memory_space<vmem>> -> memref<88x128xf32, #tpu.memory_space<vmem>>
      %dma_wait3A_272 = arith.constant 0 : i32
      %dma_wait3A_273 = tpu.memref_slice %arg9[%add3A_233, %dma_wait3A_272] : memref<114x88xi32, #tpu.memory_space<vmem>> -> memref<1x88xi32, #tpu.memory_space<vmem>>
      %dma_wait3A_274 = tpu.memref_squeeze %dma_wait3A_273 : memref<1x88xi32, #tpu.memory_space<vmem>> -> memref<88xi32, #tpu.memory_space<vmem>>
      %dma_wait3A_275 = arith.constant 0 : i32
      %dma_wait3A_276 = arith.constant 0 : i32
      %dma_wait3A_277 = tpu.memref_slice %arg7[%dma_wait3A_275, %dma_wait3A_276] : memref<10112x128xf32, #tpu.memory_space<vmem_shared>> -> memref<10112x128xf32, #tpu.memory_space<vmem_shared>>
      %dma_wait3A_278 = tpu.memref_slice %arg12[%dma_wait3A_267] : memref<2x!tpu.dma_semaphore, #tpu.memory_space<semaphore_mem>> -> memref<1x!tpu.dma_semaphore, #tpu.memory_space<semaphore_mem>>
      %dma_wait3A_279 = tpu.memref_squeeze %dma_wait3A_278 : memref<1x!tpu.dma_semaphore, #tpu.memory_space<semaphore_mem>> -> memref<!tpu.dma_semaphore, #tpu.memory_space<semaphore_mem>>
      tpu.wait_indirect_dma semaphore(%dma_wait3A_279 : memref<!tpu.dma_semaphore, #tpu.memory_space<semaphore_mem>>) src(%dma_wait3A_271 : memref<88x128xf32, #tpu.memory_space<vmem>>) dst(%dma_wait3A_277 : memref<10112x128xf32, #tpu.memory_space<vmem_shared>>)
      %add3A_280 = arith.constant 2 : i32
      %add3A_281 = arith.addi %add3A_233, %add3A_280 : i32
      %mul3A_282 = arith.constant 88 : i32
      %mul3A_283 = arith.muli %add3A_281, %mul3A_282 : i32
      %dma_start3A_284 = arith.constant 1 : i32
      %dma_start3A_285 = arith.constant 1 : i32
      %dma_start3A_286 = arith.constant 0 : i32
      %dma_start3A_287 = arith.constant 0 : i32
      %dma_start3A_288 = tpu.memref_slice %arg10[%dma_start3A_284, %dma_start3A_286, %dma_start3A_287] : memref<2x96x128xf32, #tpu.memory_space<vmem>> -> memref<1x88x128xf32, #tpu.memory_space<vmem>>
      %dma_start3A_289 = tpu.memref_squeeze %dma_start3A_288 : memref<1x88x128xf32, #tpu.memory_space<vmem>> -> memref<88x128xf32, #tpu.memory_space<vmem>>
      %dma_start3A_290 = tpu.memref_slice %arg8[%mul3A_283] : memref<10032xi32, #tpu.memory_space<vmem>> -> memref<88xi32, #tpu.memory_space<vmem>>
      %dma_start3A_291 = arith.constant 0 : i32
      %dma_start3A_292 = arith.constant 0 : i32
      %dma_start3A_293 = tpu.memref_slice %arg2[%dma_start3A_291, %dma_start3A_292] : memref<10000x128xf32, #tpu.memory_space<hbm>> -> memref<10000x128xf32, #tpu.memory_space<hbm>>
      %dma_start3A_294 = tpu.memref_slice %arg11[%dma_start3A_285] : memref<2x!tpu.dma_semaphore, #tpu.memory_space<semaphore_mem>> -> memref<1x!tpu.dma_semaphore, #tpu.memory_space<semaphore_mem>>
      %dma_start3A_295 = tpu.memref_squeeze %dma_start3A_294 : memref<1x!tpu.dma_semaphore, #tpu.memory_space<semaphore_mem>> -> memref<!tpu.dma_semaphore, #tpu.memory_space<semaphore_mem>>
      tpu.enqueue_indirect_dma source(%dma_start3A_293 : memref<10000x128xf32, #tpu.memory_space<hbm>>) target(%dma_start3A_289 : memref<88x128xf32, #tpu.memory_space<vmem>>) offsets(%dma_start3A_290 : memref<88xi32, #tpu.memory_space<vmem>>) semaphore(%dma_start3A_295 : memref<!tpu.dma_semaphore, #tpu.memory_space<semaphore_mem>>)
    }
    %scan3A_67 = arith.constant 56 : i32
    %dma_wait3A_68 = arith.constant 0 : i32
    %dma_wait3A_69 = arith.constant 0 : i32
    %dma_wait3A_70 = arith.constant 0 : i32
    %dma_wait3A_71 = arith.constant 0 : i32
    %dma_wait3A_72 = tpu.memref_slice %arg10[%dma_wait3A_68, %dma_wait3A_70, %dma_wait3A_71] : memref<2x96x128xf32, #tpu.memory_space<vmem>> -> memref<1x88x128xf32, #tpu.memory_space<vmem>>
    %dma_wait3A_73 = tpu.memref_squeeze %dma_wait3A_72 : memref<1x88x128xf32, #tpu.memory_space<vmem>> -> memref<88x128xf32, #tpu.memory_space<vmem>>
    %dma_wait3A_74 = arith.constant 0 : i32
    %dma_wait3A_75 = arith.constant 0 : i32
    %dma_wait3A_76 = tpu.memref_slice %arg5[%dma_wait3A_74, %dma_wait3A_75] : memref<10112x128xf32, #tpu.memory_space<hbm>> -> memref<88x128xf32, #tpu.memory_space<hbm>>
    %dma_wait3A_77 = tpu.memref_slice %arg11[%dma_wait3A_69] : memref<2x!tpu.dma_semaphore, #tpu.memory_space<semaphore_mem>> -> memref<1x!tpu.dma_semaphore, #tpu.memory_space<semaphore_mem>>
    %dma_wait3A_78 = tpu.memref_squeeze %dma_wait3A_77 : memref<1x!tpu.dma_semaphore, #tpu.memory_space<semaphore_mem>> -> memref<!tpu.dma_semaphore, #tpu.memory_space<semaphore_mem>>
    %dma_wait3A_79 = arith.constant 0 : i32
    %dma_wait3A_80 = arith.constant 0 : i32
    %dma_wait3A_81 = tpu.memref_slice %arg10[%dma_wait3A_68, %dma_wait3A_79, %dma_wait3A_80] : memref<2x96x128xf32, #tpu.memory_space<vmem>> -> memref<1x88x128xf32, #tpu.memory_space<vmem>>
    %dma_wait3A_82 = tpu.memref_squeeze %dma_wait3A_81 : memref<1x88x128xf32, #tpu.memory_space<vmem>> -> memref<88x128xf32, #tpu.memory_space<vmem>>
    %dma_wait3A_83 = arith.constant 0 : i32
    %dma_wait3A_84 = arith.constant 0 : i32
    %dma_wait3A_85 = tpu.memref_slice %arg5[%dma_wait3A_83, %dma_wait3A_84] : memref<10112x128xf32, #tpu.memory_space<hbm>> -> memref<88x128xf32, #tpu.memory_space<hbm>>
    tpu.wait_dma2 semaphore(%dma_wait3A_78 : memref<!tpu.dma_semaphore, #tpu.memory_space<semaphore_mem>>) src(%dma_wait3A_85 : memref<88x128xf32, #tpu.memory_space<hbm>>) dst(%dma_wait3A_82 : memref<88x128xf32, #tpu.memory_space<vmem>>)
    %dma_start3A_86 = arith.constant 0 : i32
    %dma_start3A_87 = arith.constant 112 : i32
    %dma_start3A_88 = arith.constant 0 : i32
    %dma_start3A_89 = arith.constant 0 : i32
    %dma_start3A_90 = arith.constant 0 : i32
    %dma_start3A_91 = tpu.memref_slice %arg10[%dma_start3A_86, %dma_start3A_89, %dma_start3A_90] : memref<2x96x128xf32, #tpu.memory_space<vmem>> -> memref<1x88x128xf32, #tpu.memory_space<vmem>>
    %dma_start3A_92 = tpu.memref_squeeze %dma_start3A_91 : memref<1x88x128xf32, #tpu.memory_space<vmem>> -> memref<88x128xf32, #tpu.memory_space<vmem>>
    %dma_start3A_93 = arith.constant 0 : i32
    %dma_start3A_94 = tpu.memref_slice %arg9[%dma_start3A_87, %dma_start3A_93] : memref<114x88xi32, #tpu.memory_space<vmem>> -> memref<1x88xi32, #tpu.memory_space<vmem>>
    %dma_start3A_95 = tpu.memref_squeeze %dma_start3A_94 : memref<1x88xi32, #tpu.memory_space<vmem>> -> memref<88xi32, #tpu.memory_space<vmem>>
    %dma_start3A_96 = arith.constant 0 : i32
    %dma_start3A_97 = arith.constant 0 : i32
    %dma_start3A_98 = tpu.memref_slice %arg7[%dma_start3A_96, %dma_start3A_97] : memref<10112x128xf32, #tpu.memory_space<vmem_shared>> -> memref<10112x128xf32, #tpu.memory_space<vmem_shared>>
    %dma_start3A_99 = tpu.memref_slice %arg12[%dma_start3A_88] : memref<2x!tpu.dma_semaphore, #tpu.memory_space<semaphore_mem>> -> memref<1x!tpu.dma_semaphore, #tpu.memory_space<semaphore_mem>>
    %dma_start3A_100 = tpu.memref_squeeze %dma_start3A_99 : memref<1x!tpu.dma_semaphore, #tpu.memory_space<semaphore_mem>> -> memref<!tpu.dma_semaphore, #tpu.memory_space<semaphore_mem>>
    tpu.enqueue_indirect_dma source(%dma_start3A_92 : memref<88x128xf32, #tpu.memory_space<vmem>>) target(%dma_start3A_98 : memref<10112x128xf32, #tpu.memory_space<vmem_shared>>) offsets(%dma_start3A_95 : memref<88xi32, #tpu.memory_space<vmem>>) semaphore(%dma_start3A_100 : memref<!tpu.dma_semaphore, #tpu.memory_space<semaphore_mem>>) {add = true}
    %dma_wait3A_101 = arith.constant 0 : i32
    %dma_wait3A_102 = arith.constant 112 : i32
    %dma_wait3A_103 = arith.constant 0 : i32
    %dma_wait3A_104 = arith.constant 0 : i32
    %dma_wait3A_105 = arith.constant 0 : i32
    %dma_wait3A_106 = tpu.memref_slice %arg10[%dma_wait3A_101, %dma_wait3A_104, %dma_wait3A_105] : memref<2x96x128xf32, #tpu.memory_space<vmem>> -> memref<1x88x128xf32, #tpu.memory_space<vmem>>
    %dma_wait3A_107 = tpu.memref_squeeze %dma_wait3A_106 : memref<1x88x128xf32, #tpu.memory_space<vmem>> -> memref<88x128xf32, #tpu.memory_space<vmem>>
    %dma_wait3A_108 = arith.constant 0 : i32
    %dma_wait3A_109 = tpu.memref_slice %arg9[%dma_wait3A_102, %dma_wait3A_108] : memref<114x88xi32, #tpu.memory_space<vmem>> -> memref<1x88xi32, #tpu.memory_space<vmem>>
    %dma_wait3A_110 = tpu.memref_squeeze %dma_wait3A_109 : memref<1x88xi32, #tpu.memory_space<vmem>> -> memref<88xi32, #tpu.memory_space<vmem>>
    %dma_wait3A_111 = arith.constant 0 : i32
    %dma_wait3A_112 = arith.constant 0 : i32
    %dma_wait3A_113 = tpu.memref_slice %arg7[%dma_wait3A_111, %dma_wait3A_112] : memref<10112x128xf32, #tpu.memory_space<vmem_shared>> -> memref<10112x128xf32, #tpu.memory_space<vmem_shared>>
    %dma_wait3A_114 = tpu.memref_slice %arg12[%dma_wait3A_103] : memref<2x!tpu.dma_semaphore, #tpu.memory_space<semaphore_mem>> -> memref<1x!tpu.dma_semaphore, #tpu.memory_space<semaphore_mem>>
    %dma_wait3A_115 = tpu.memref_squeeze %dma_wait3A_114 : memref<1x!tpu.dma_semaphore, #tpu.memory_space<semaphore_mem>> -> memref<!tpu.dma_semaphore, #tpu.memory_space<semaphore_mem>>
    tpu.wait_indirect_dma semaphore(%dma_wait3A_115 : memref<!tpu.dma_semaphore, #tpu.memory_space<semaphore_mem>>) src(%dma_wait3A_107 : memref<88x128xf32, #tpu.memory_space<vmem>>) dst(%dma_wait3A_113 : memref<10112x128xf32, #tpu.memory_space<vmem_shared>>)
    %dma_wait3A_116 = arith.constant 1 : i32
    %dma_wait3A_117 = arith.constant 1 : i32
    %dma_wait3A_118 = arith.constant 0 : i32
    %dma_wait3A_119 = arith.constant 0 : i32
    %dma_wait3A_120 = tpu.memref_slice %arg10[%dma_wait3A_116, %dma_wait3A_118, %dma_wait3A_119] : memref<2x96x128xf32, #tpu.memory_space<vmem>> -> memref<1x88x128xf32, #tpu.memory_space<vmem>>
    %dma_wait3A_121 = tpu.memref_squeeze %dma_wait3A_120 : memref<1x88x128xf32, #tpu.memory_space<vmem>> -> memref<88x128xf32, #tpu.memory_space<vmem>>
    %dma_wait3A_122 = arith.constant 0 : i32
    %dma_wait3A_123 = arith.constant 0 : i32
    %dma_wait3A_124 = tpu.memref_slice %arg5[%dma_wait3A_122, %dma_wait3A_123] : memref<10112x128xf32, #tpu.memory_space<hbm>> -> memref<88x128xf32, #tpu.memory_space<hbm>>
    %dma_wait3A_125 = tpu.memref_slice %arg11[%dma_wait3A_117] : memref<2x!tpu.dma_semaphore, #tpu.memory_space<semaphore_mem>> -> memref<1x!tpu.dma_semaphore, #tpu.memory_space<semaphore_mem>>
    %dma_wait3A_126 = tpu.memref_squeeze %dma_wait3A_125 : memref<1x!tpu.dma_semaphore, #tpu.memory_space<semaphore_mem>> -> memref<!tpu.dma_semaphore, #tpu.memory_space<semaphore_mem>>
    %dma_wait3A_127 = arith.constant 0 : i32
    %dma_wait3A_128 = arith.constant 0 : i32
    %dma_wait3A_129 = tpu.memref_slice %arg10[%dma_wait3A_116, %dma_wait3A_127, %dma_wait3A_128] : memref<2x96x128xf32, #tpu.memory_space<vmem>> -> memref<1x88x128xf32, #tpu.memory_space<vmem>>
    %dma_wait3A_130 = tpu.memref_squeeze %dma_wait3A_129 : memref<1x88x128xf32, #tpu.memory_space<vmem>> -> memref<88x128xf32, #tpu.memory_space<vmem>>
    %dma_wait3A_131 = arith.constant 0 : i32
    %dma_wait3A_132 = arith.constant 0 : i32
    %dma_wait3A_133 = tpu.memref_slice %arg5[%dma_wait3A_131, %dma_wait3A_132] : memref<10112x128xf32, #tpu.memory_space<hbm>> -> memref<88x128xf32, #tpu.memory_space<hbm>>
    tpu.wait_dma2 semaphore(%dma_wait3A_126 : memref<!tpu.dma_semaphore, #tpu.memory_space<semaphore_mem>>) src(%dma_wait3A_133 : memref<88x128xf32, #tpu.memory_space<hbm>>) dst(%dma_wait3A_130 : memref<88x128xf32, #tpu.memory_space<vmem>>)
    %dma_start3A_134 = arith.constant 1 : i32
    %dma_start3A_135 = arith.constant 113 : i32
    %dma_start3A_136 = arith.constant 1 : i32
    %dma_start3A_137 = arith.constant 0 : i32
    %dma_start3A_138 = arith.constant 0 : i32
    %dma_start3A_139 = tpu.memref_slice %arg10[%dma_start3A_134, %dma_start3A_137, %dma_start3A_138] : memref<2x96x128xf32, #tpu.memory_space<vmem>> -> memref<1x88x128xf32, #tpu.memory_space<vmem>>
    %dma_start3A_140 = tpu.memref_squeeze %dma_start3A_139 : memref<1x88x128xf32, #tpu.memory_space<vmem>> -> memref<88x128xf32, #tpu.memory_space<vmem>>
    %dma_start3A_141 = arith.constant 0 : i32
    %dma_start3A_142 = tpu.memref_slice %arg9[%dma_start3A_135, %dma_start3A_141] : memref<114x88xi32, #tpu.memory_space<vmem>> -> memref<1x88xi32, #tpu.memory_space<vmem>>
    %dma_start3A_143 = tpu.memref_squeeze %dma_start3A_142 : memref<1x88xi32, #tpu.memory_space<vmem>> -> memref<88xi32, #tpu.memory_space<vmem>>
    %dma_start3A_144 = arith.constant 0 : i32
    %dma_start3A_145 = arith.constant 0 : i32
    %dma_start3A_146 = tpu.memref_slice %arg7[%dma_start3A_144, %dma_start3A_145] : memref<10112x128xf32, #tpu.memory_space<vmem_shared>> -> memref<10112x128xf32, #tpu.memory_space<vmem_shared>>
    %dma_start3A_147 = tpu.memref_slice %arg12[%dma_start3A_136] : memref<2x!tpu.dma_semaphore, #tpu.memory_space<semaphore_mem>> -> memref<1x!tpu.dma_semaphore, #tpu.memory_space<semaphore_mem>>
    %dma_start3A_148 = tpu.memref_squeeze %dma_start3A_147 : memref<1x!tpu.dma_semaphore, #tpu.memory_space<semaphore_mem>> -> memref<!tpu.dma_semaphore, #tpu.memory_space<semaphore_mem>>
    tpu.enqueue_indirect_dma source(%dma_start3A_140 : memref<88x128xf32, #tpu.memory_space<vmem>>) target(%dma_start3A_146 : memref<10112x128xf32, #tpu.memory_space<vmem_shared>>) offsets(%dma_start3A_143 : memref<88xi32, #tpu.memory_space<vmem>>) semaphore(%dma_start3A_148 : memref<!tpu.dma_semaphore, #tpu.memory_space<semaphore_mem>>) {add = true}
    %dma_wait3A_149 = arith.constant 1 : i32
    %dma_wait3A_150 = arith.constant 113 : i32
    %dma_wait3A_151 = arith.constant 1 : i32
    %dma_wait3A_152 = arith.constant 0 : i32
    %dma_wait3A_153 = arith.constant 0 : i32
    %dma_wait3A_154 = tpu.memref_slice %arg10[%dma_wait3A_149, %dma_wait3A_152, %dma_wait3A_153] : memref<2x96x128xf32, #tpu.memory_space<vmem>> -> memref<1x88x128xf32, #tpu.memory_space<vmem>>
    %dma_wait3A_155 = tpu.memref_squeeze %dma_wait3A_154 : memref<1x88x128xf32, #tpu.memory_space<vmem>> -> memref<88x128xf32, #tpu.memory_space<vmem>>
    %dma_wait3A_156 = arith.constant 0 : i32
    %dma_wait3A_157 = tpu.memref_slice %arg9[%dma_wait3A_150, %dma_wait3A_156] : memref<114x88xi32, #tpu.memory_space<vmem>> -> memref<1x88xi32, #tpu.memory_space<vmem>>
    %dma_wait3A_158 = tpu.memref_squeeze %dma_wait3A_157 : memref<1x88xi32, #tpu.memory_space<vmem>> -> memref<88xi32, #tpu.memory_space<vmem>>
    %dma_wait3A_159 = arith.constant 0 : i32
    %dma_wait3A_160 = arith.constant 0 : i32
    %dma_wait3A_161 = tpu.memref_slice %arg7[%dma_wait3A_159, %dma_wait3A_160] : memref<10112x128xf32, #tpu.memory_space<vmem_shared>> -> memref<10112x128xf32, #tpu.memory_space<vmem_shared>>
    %dma_wait3A_162 = tpu.memref_slice %arg12[%dma_wait3A_151] : memref<2x!tpu.dma_semaphore, #tpu.memory_space<semaphore_mem>> -> memref<1x!tpu.dma_semaphore, #tpu.memory_space<semaphore_mem>>
    %dma_wait3A_163 = tpu.memref_squeeze %dma_wait3A_162 : memref<1x!tpu.dma_semaphore, #tpu.memory_space<semaphore_mem>> -> memref<!tpu.dma_semaphore, #tpu.memory_space<semaphore_mem>>
    tpu.wait_indirect_dma semaphore(%dma_wait3A_163 : memref<!tpu.dma_semaphore, #tpu.memory_space<semaphore_mem>>) src(%dma_wait3A_155 : memref<88x128xf32, #tpu.memory_space<vmem>>) dst(%dma_wait3A_161 : memref<10112x128xf32, #tpu.memory_space<vmem_shared>>)
    %barrier3A_164 = arith.constant 0 : index
    tpu.barrier barrier_id(%barrier3A_164)
    "tpu.region"() ({
      %run_scoped3A = tpu.sem_alloc : memref<!tpu.dma_semaphore, #tpu.memory_space<semaphore_mem>>
      %dma_start3A_165 = arith.constant 0 : i32
      %dma_start3A_166 = tpu.memref_slice %arg6[%arg0, %mul3A_2, %dma_start3A_165] : memref<2x10112x128xf32, #tpu.memory_space<hbm>> -> memref<1x632x128xf32, #tpu.memory_space<hbm>>
      %dma_start3A_167 = tpu.memref_squeeze %dma_start3A_166 : memref<1x632x128xf32, #tpu.memory_space<hbm>> -> memref<632x128xf32, #tpu.memory_space<hbm>>
      %dma_start3A_168 = arith.constant 0 : i32
      %dma_start3A_169 = tpu.memref_slice %arg7[%mul3A_2, %dma_start3A_168] : memref<10112x128xf32, #tpu.memory_space<vmem_shared>> -> memref<632x128xf32, #tpu.memory_space<vmem_shared>>
      tpu.enqueue_dma source(%dma_start3A_169 : memref<632x128xf32, #tpu.memory_space<vmem_shared>>) target(%dma_start3A_167 : memref<632x128xf32, #tpu.memory_space<hbm>>) target_semaphore(%run_scoped3A : memref<!tpu.dma_semaphore, #tpu.memory_space<semaphore_mem>>)
      %dma_wait3A_170 = arith.constant 0 : i32
      %dma_wait3A_171 = tpu.memref_slice %arg6[%arg0, %mul3A_2, %dma_wait3A_170] : memref<2x10112x128xf32, #tpu.memory_space<hbm>> -> memref<1x632x128xf32, #tpu.memory_space<hbm>>
      %dma_wait3A_172 = tpu.memref_squeeze %dma_wait3A_171 : memref<1x632x128xf32, #tpu.memory_space<hbm>> -> memref<632x128xf32, #tpu.memory_space<hbm>>
      %dma_wait3A_173 = arith.constant 0 : i32
      %dma_wait3A_174 = tpu.memref_slice %arg7[%mul3A_2, %dma_wait3A_173] : memref<10112x128xf32, #tpu.memory_space<vmem_shared>> -> memref<632x128xf32, #tpu.memory_space<vmem_shared>>
      tpu.wait_dma2 semaphore(%run_scoped3A : memref<!tpu.dma_semaphore, #tpu.memory_space<semaphore_mem>>) src(%dma_wait3A_174 : memref<632x128xf32, #tpu.memory_space<vmem_shared>>) dst(%dma_wait3A_172 : memref<632x128xf32, #tpu.memory_space<hbm>>)
      tpu.yield
    }) : () -> ()
    return
  }
}

module attributes {stable_mosaic.version = 14 : i64} {
  func.func @body(%arg0: i32, %arg1: memref<1000x128xf32, #tpu.memory_space<vmem>>, %arg2: memref<2x1000x128xf32, #tpu.memory_space<vmem>>, %arg3: memref<128x128xf32, #tpu.memory_space<vmem>>, %arg4: memref<1x128xf32, #tpu.memory_space<vmem>>, %arg5: memref<128x128xf32, #tpu.memory_space<vmem>>, %arg6: memref<1x128xf32, #tpu.memory_space<vmem>>, %arg7: memref<1000x128xf32, #tpu.memory_space<vmem>>) attributes {dimension_semantics = [#tpu.dimension_semantics<arbitrary>], iteration_bounds = array<i64: 10>, scalar_prefetch = 0 : i64, scratch_operands = 0 : i64, tpu.core_type = #tpu.core_type<tc>, window_params = [{transform_indices = @transform_0, window_bounds = array<i64: 1000, 128>}, {transform_indices = @transform_1, window_bounds = array<i64: 2, 1000, 128>}, {pipeline_mode = #tpu.pipeline_mode<synchronous>, transform_indices = @transform_2, window_bounds = array<i64: 128, 128>}, {pipeline_mode = #tpu.pipeline_mode<synchronous>, transform_indices = @transform_3, window_bounds = array<i64: 1, 128>}, {pipeline_mode = #tpu.pipeline_mode<synchronous>, transform_indices = @transform_4, window_bounds = array<i64: 128, 128>}, {pipeline_mode = #tpu.pipeline_mode<synchronous>, transform_indices = @transform_5, window_bounds = array<i64: 1, 128>}, {transform_indices = @transform_6, window_bounds = array<i64: 1000, 128>}]} {
    %get3A = arith.constant 0 : index
    %get3A_0 = arith.constant 0 : index
    %get3A_1 = vector.load %arg1[%get3A, %get3A_0] : memref<1000x128xf32, #tpu.memory_space<vmem>>, vector<1000x128xf32>
    %get3A_2 = arith.constant 0 : index
    %get3A_3 = arith.constant 0 : index
    %get3A_4 = arith.constant 0 : index
    %get3A_5 = vector.load %arg2[%get3A_2, %get3A_3, %get3A_4] : memref<2x1000x128xf32, #tpu.memory_space<vmem>>, vector<1x1000x128xf32>
    %get3A_6 = vector.shape_cast %get3A_5 : vector<1x1000x128xf32> to vector<1000x128xf32>
    %add3A = arith.addf %get3A_1, %get3A_6 : vector<1000x128xf32>
    %get3A_7 = arith.constant 1 : index
    %get3A_8 = arith.constant 0 : index
    %get3A_9 = arith.constant 0 : index
    %get3A_10 = vector.load %arg2[%get3A_7, %get3A_8, %get3A_9] : memref<2x1000x128xf32, #tpu.memory_space<vmem>>, vector<1x1000x128xf32>
    %get3A_11 = vector.shape_cast %get3A_10 : vector<1x1000x128xf32> to vector<1000x128xf32>
    %add3A_12 = arith.addf %add3A, %get3A_11 : vector<1000x128xf32>
    %get3A_13 = arith.constant 0 : index
    %get3A_14 = arith.constant 0 : index
    %get3A_15 = vector.load %arg3[%get3A_13, %get3A_14] : memref<128x128xf32, #tpu.memory_space<vmem>>, vector<128x128xf32>
    %dot_general3A = arith.constant dense<0.000000e+00> : vector<1000x128xf32>
    %dot_general3A_16 = tpu.matmul %add3A_12, %get3A_15, %dot_general3A {dimension_numbers = #tpu.dot_dimension_numbers<[1], [0], [0], [1], [0, 0, 1, 1], [], []>, transpose_lhs_hint = false} : vector<1000x128xf32>, vector<128x128xf32>, vector<1000x128xf32> -> vector<1000x128xf32>
    %get3A_17 = arith.constant 0 : index
    %get3A_18 = arith.constant 0 : index
    %get3A_19 = vector.load %arg4[%get3A_17, %get3A_18] : memref<1x128xf32, #tpu.memory_space<vmem>>, vector<1x128xf32>
    %add3A_20 = vector.broadcast %get3A_19 : vector<1x128xf32> to vector<1000x128xf32>
    %add3A_21 = arith.addf %dot_general3A_16, %add3A_20 : vector<1000x128xf32>
    %max3A = arith.constant 0.000000e+00 : f32
    %max3A_22 = vector.broadcast %max3A : f32 to vector<1000x128xf32>
    %max3A_23 = arith.maximumf %add3A_21, %max3A_22 : vector<1000x128xf32>
    %get3A_24 = arith.constant 0 : index
    %get3A_25 = arith.constant 0 : index
    %get3A_26 = vector.load %arg5[%get3A_24, %get3A_25] : memref<128x128xf32, #tpu.memory_space<vmem>>, vector<128x128xf32>
    %dot_general3A_27 = arith.constant dense<0.000000e+00> : vector<1000x128xf32>
    %dot_general3A_28 = tpu.matmul %max3A_23, %get3A_26, %dot_general3A_27 {dimension_numbers = #tpu.dot_dimension_numbers<[1], [0], [0], [1], [0, 0, 1, 1], [], []>, transpose_lhs_hint = false} : vector<1000x128xf32>, vector<128x128xf32>, vector<1000x128xf32> -> vector<1000x128xf32>
    %get3A_29 = arith.constant 0 : index
    %get3A_30 = arith.constant 0 : index
    %get3A_31 = vector.load %arg6[%get3A_29, %get3A_30] : memref<1x128xf32, #tpu.memory_space<vmem>>, vector<1x128xf32>
    %add3A_32 = vector.broadcast %get3A_31 : vector<1x128xf32> to vector<1000x128xf32>
    %add3A_33 = arith.addf %dot_general3A_28, %add3A_32 : vector<1000x128xf32>
    %max3A_34 = arith.constant 0.000000e+00 : f32
    %max3A_35 = vector.broadcast %max3A_34 : f32 to vector<1000x128xf32>
    %max3A_36 = arith.maximumf %add3A_33, %max3A_35 : vector<1000x128xf32>
    %swap3A = arith.constant 0 : index
    %swap3A_37 = arith.constant 0 : index
    %swap3A_38 = vector.load %arg7[%swap3A, %swap3A_37] : memref<1000x128xf32, #tpu.memory_space<vmem>>, vector<1000x128xf32>
    tpu.vector_store %arg7[%swap3A, %swap3A_37], %max3A_36 {strides = array<i32>} : memref<1000x128xf32, #tpu.memory_space<vmem>>, vector<1000x128xf32>,
    return
  }
  func.func @transform_0(%arg0: i32) -> (i32, i32) {
    %c0_i32 = arith.constant 0 : i32
    %c0_i32_0 = arith.constant 0 : i32
    return %arg0, %c0_i32 : i32, i32
  }
  func.func @transform_1(%arg0: i32) -> (i32, i32, i32) {
    %c0_i32 = arith.constant 0 : i32
    %c0_i32_0 = arith.constant 0 : i32
    %c0_i32_1 = arith.constant 0 : i32
    return %c0_i32, %arg0, %c0_i32_0 : i32, i32, i32
  }
  func.func @transform_2(%arg0: i32) -> (i32, i32) {
    %c0_i32 = arith.constant 0 : i32
    %c0_i32_0 = arith.constant 0 : i32
    %c0_i32_1 = arith.constant 0 : i32
    return %c0_i32, %c0_i32_0 : i32, i32
  }
  func.func @transform_3(%arg0: i32) -> (i32, i32) {
    %c0_i32 = arith.constant 0 : i32
    %c0_i32_0 = arith.constant 0 : i32
    %c0_i32_1 = arith.constant 0 : i32
    return %c0_i32, %c0_i32_0 : i32, i32
  }
  func.func @transform_4(%arg0: i32) -> (i32, i32) {
    %c0_i32 = arith.constant 0 : i32
    %c0_i32_0 = arith.constant 0 : i32
    %c0_i32_1 = arith.constant 0 : i32
    return %c0_i32, %c0_i32_0 : i32, i32
  }
  func.func @transform_5(%arg0: i32) -> (i32, i32) {
    %c0_i32 = arith.constant 0 : i32
    %c0_i32_0 = arith.constant 0 : i32
    %c0_i32_1 = arith.constant 0 : i32
    return %c0_i32, %c0_i32_0 : i32, i32
  }
  func.func @transform_6(%arg0: i32) -> (i32, i32) {
    %c0_i32 = arith.constant 0 : i32
    %c0_i32_0 = arith.constant 0 : i32
    return %arg0, %c0_i32 : i32, i32
  }
}

module attributes {stable_mosaic.version = 14 : i64} {
  func.func @body(%arg0: i32, %arg1: memref<1000x128xf32, #tpu.memory_space<vmem>>, %arg2: memref<2x1000x128xf32, #tpu.memory_space<vmem>>, %arg3: memref<128x128xf32, #tpu.memory_space<vmem>>, %arg4: memref<1x128xf32, #tpu.memory_space<vmem>>, %arg5: memref<128x128xf32, #tpu.memory_space<vmem>>, %arg6: memref<1x128xf32, #tpu.memory_space<vmem>>, %arg7: memref<1000x128xf32, #tpu.memory_space<vmem>>) attributes {dimension_semantics = [#tpu.dimension_semantics<arbitrary>], iteration_bounds = array<i64: 10>, scalar_prefetch = 0 : i64, scratch_operands = 0 : i64, tpu.core_type = #tpu.core_type<tc>, window_params = [{transform_indices = @transform_0, window_bounds = array<i64: 1000, 128>}, {transform_indices = @transform_1, window_bounds = array<i64: 2, 1000, 128>}, {pipeline_mode = #tpu.pipeline_mode<synchronous>, transform_indices = @transform_2, window_bounds = array<i64: 128, 128>}, {pipeline_mode = #tpu.pipeline_mode<synchronous>, transform_indices = @transform_3, window_bounds = array<i64: 1, 128>}, {pipeline_mode = #tpu.pipeline_mode<synchronous>, transform_indices = @transform_4, window_bounds = array<i64: 128, 128>}, {pipeline_mode = #tpu.pipeline_mode<synchronous>, transform_indices = @transform_5, window_bounds = array<i64: 1, 128>}, {transform_indices = @transform_6, window_bounds = array<i64: 1000, 128>}]} {
    %get3A = arith.constant 0 : index
    %get3A_0 = arith.constant 0 : index
    %get3A_1 = vector.load %arg1[%get3A, %get3A_0] : memref<1000x128xf32, #tpu.memory_space<vmem>>, vector<1000x128xf32>
    %get3A_2 = arith.constant 0 : index
    %get3A_3 = arith.constant 0 : index
    %get3A_4 = arith.constant 0 : index
    %get3A_5 = vector.load %arg2[%get3A_2, %get3A_3, %get3A_4] : memref<2x1000x128xf32, #tpu.memory_space<vmem>>, vector<1x1000x128xf32>
    %get3A_6 = vector.shape_cast %get3A_5 : vector<1x1000x128xf32> to vector<1000x128xf32>
    %add3A = arith.addf %get3A_1, %get3A_6 : vector<1000x128xf32>
    %get3A_7 = arith.constant 1 : index
    %get3A_8 = arith.constant 0 : index
    %get3A_9 = arith.constant 0 : index
    %get3A_10 = vector.load %arg2[%get3A_7, %get3A_8, %get3A_9] : memref<2x1000x128xf32, #tpu.memory_space<vmem>>, vector<1x1000x128xf32>
    %get3A_11 = vector.shape_cast %get3A_10 : vector<1x1000x128xf32> to vector<1000x128xf32>
    %add3A_12 = arith.addf %add3A, %get3A_11 : vector<1000x128xf32>
    %get3A_13 = arith.constant 0 : index
    %get3A_14 = arith.constant 0 : index
    %get3A_15 = vector.load %arg3[%get3A_13, %get3A_14] : memref<128x128xf32, #tpu.memory_space<vmem>>, vector<128x128xf32>
    %dot_general3A = arith.constant dense<0.000000e+00> : vector<1000x128xf32>
    %dot_general3A_16 = tpu.matmul %add3A_12, %get3A_15, %dot_general3A {dimension_numbers = #tpu.dot_dimension_numbers<[1], [0], [0], [1], [0, 0, 1, 1], [], []>, transpose_lhs_hint = false} : vector<1000x128xf32>, vector<128x128xf32>, vector<1000x128xf32> -> vector<1000x128xf32>
    %get3A_17 = arith.constant 0 : index
    %get3A_18 = arith.constant 0 : index
    %get3A_19 = vector.load %arg4[%get3A_17, %get3A_18] : memref<1x128xf32, #tpu.memory_space<vmem>>, vector<1x128xf32>
    %add3A_20 = vector.broadcast %get3A_19 : vector<1x128xf32> to vector<1000x128xf32>
    %add3A_21 = arith.addf %dot_general3A_16, %add3A_20 : vector<1000x128xf32>
    %max3A = arith.constant 0.000000e+00 : f32
    %max3A_22 = vector.broadcast %max3A : f32 to vector<1000x128xf32>
    %max3A_23 = arith.maximumf %add3A_21, %max3A_22 : vector<1000x128xf32>
    %get3A_24 = arith.constant 0 : index
    %get3A_25 = arith.constant 0 : index
    %get3A_26 = vector.load %arg5[%get3A_24, %get3A_25] : memref<128x128xf32, #tpu.memory_space<vmem>>, vector<128x128xf32>
    %dot_general3A_27 = arith.constant dense<0.000000e+00> : vector<1000x128xf32>
    %dot_general3A_28 = tpu.matmul %max3A_23, %get3A_26, %dot_general3A_27 {dimension_numbers = #tpu.dot_dimension_numbers<[1], [0], [0], [1], [0, 0, 1, 1], [], []>, transpose_lhs_hint = false} : vector<1000x128xf32>, vector<128x128xf32>, vector<1000x128xf32> -> vector<1000x128xf32>
    %get3A_29 = arith.constant 0 : index
    %get3A_30 = arith.constant 0 : index
    %get3A_31 = vector.load %arg6[%get3A_29, %get3A_30] : memref<1x128xf32, #tpu.memory_space<vmem>>, vector<1x128xf32>
    %add3A_32 = vector.broadcast %get3A_31 : vector<1x128xf32> to vector<1000x128xf32>
    %add3A_33 = arith.addf %dot_general3A_28, %add3A_32 : vector<1000x128xf32>
    %swap3A = arith.constant 0 : index
    %swap3A_34 = arith.constant 0 : index
    %swap3A_35 = vector.load %arg7[%swap3A, %swap3A_34] : memref<1000x128xf32, #tpu.memory_space<vmem>>, vector<1000x128xf32>
    tpu.vector_store %arg7[%swap3A, %swap3A_34], %add3A_33 {strides = array<i32>} : memref<1000x128xf32, #tpu.memory_space<vmem>>, vector<1000x128xf32>,
    return
  }
  func.func @transform_0(%arg0: i32) -> (i32, i32) {
    %c0_i32 = arith.constant 0 : i32
    %c0_i32_0 = arith.constant 0 : i32
    return %arg0, %c0_i32 : i32, i32
  }
  func.func @transform_1(%arg0: i32) -> (i32, i32, i32) {
    %c0_i32 = arith.constant 0 : i32
    %c0_i32_0 = arith.constant 0 : i32
    %c0_i32_1 = arith.constant 0 : i32
    return %c0_i32, %arg0, %c0_i32_0 : i32, i32, i32
  }
  func.func @transform_2(%arg0: i32) -> (i32, i32) {
    %c0_i32 = arith.constant 0 : i32
    %c0_i32_0 = arith.constant 0 : i32
    %c0_i32_1 = arith.constant 0 : i32
    return %c0_i32, %c0_i32_0 : i32, i32
  }
  func.func @transform_3(%arg0: i32) -> (i32, i32) {
    %c0_i32 = arith.constant 0 : i32
    %c0_i32_0 = arith.constant 0 : i32
    %c0_i32_1 = arith.constant 0 : i32
    return %c0_i32, %c0_i32_0 : i32, i32
  }
  func.func @transform_4(%arg0: i32) -> (i32, i32) {
    %c0_i32 = arith.constant 0 : i32
    %c0_i32_0 = arith.constant 0 : i32
    %c0_i32_1 = arith.constant 0 : i32
    return %c0_i32, %c0_i32_0 : i32, i32
  }
  func.func @transform_5(%arg0: i32) -> (i32, i32) {
    %c0_i32 = arith.constant 0 : i32
    %c0_i32_0 = arith.constant 0 : i32
    %c0_i32_1 = arith.constant 0 : i32
    return %c0_i32, %c0_i32_0 : i32, i32
  }
  func.func @transform_6(%arg0: i32) -> (i32, i32) {
    %c0_i32 = arith.constant 0 : i32
    %c0_i32_0 = arith.constant 0 : i32
    return %arg0, %c0_i32 : i32, i32
  }
}

</mosaic_0001>

<sc_bundles>
// kernel: kernel.6.cloned.1.call-start
scs
__scs_entry_jumppad:
0x0: {  	(pc) =	sbr.rel $0x88, $3  }
0x1: {  	(tag) =	ssettag $0x0;
	lr =	simm.s32 $0x1  }
0x2: {  	[smem:$0x3F97] =	sst lr;
	_ =	strace $0xD0000000  }
0x3: {  	_ = 	snop  }
0x4: {  	_ = 	snop  }
0x5: {  	_ = 	snop  }
0x6: {  	_ = 	snop  }
0x7: {  	_ = 	snop  }
__scs_overlays_trampoline_lowered:
0x8: {  	[smem:$0x3FA6] =	sst s0  }
0x9: {  	[smem:$0x3FA7] =	sst s1  }
0xa: {  	[smem:$0x3FA8] =	sst s2  }
0xb: {  	[smem:$0x3FA9] =	sst s3  }
0xc: {  	[smem:$0x3FAA] =	sst s4  }
0xd: {  	[smem:$0x3FAB] =	sst s5  }
0xe: {  	[smem:$0x3FAC] =	sst s6  }
0xf: {  	[smem:$0x3FAD] =	sst s7  }
0x10: {  	[smem:$0x3FAE] =	sst s8  }
0x11: {  	[smem:$0x3FAF] =	sst s9;
	s0 =	simm.s32 @!p0 $0x0  }
0x12: {  	s1 =	sld [smem:$0x3F95];
	s0 =	simm.s32 @p0 $0x1  }
0x13: {  	[smem:$0x3FB0] =	sst s0;
	s0 =	simm.s32 @!p1 $0x0  }
0x14: {  	s2 =	sld [smem:$0x3F94];
	s0 =	simm.s32 @p1 $0x1  }
0x15: {  	[smem:$0x3FB1] =	sst s0;
	s0 =	simm.s32 @!p2 $0x0  }
0x16: {  	s3 =	sld [smem:$0x3FDB];
	s0 =	simm.s32 @p2 $0x1  }
0x17: {  	s4 =	simm.s32 $0x1BF5;
	[smem:$0x3FB3] =	sst s0  }
0x18: {  	s0 =	sld [smem:$0x3F96];
	_ =	swait.ge [sflag:s4], $0x0  }
0x19: {  	s7 =	sld [smem:$0x3F97]  }
0x1a: {  	s8 =	sadd.s32 $0xFFFFE003, lr  }
0x1b: {  	s9 =	sadd.s32 $0xFFFFFEF7, lr;
	s5 =	simm.s32 $0xFFFFFFFF;
	p2 =	slt.u32 s8, $0xFFFFF086  }
0x1c: {  	p1 =	slt.u32 s9, $0xF7A;
	s5 =	simm.s32 @!p2 $0x0  }
0x1d: {  	s5 =	simm.s32 @p1 $0x1;
	p0 =	seq.s32 s7, s2  }
0x1e: {  	s7 =	smul.u32 @!p0 $0xF7A, s2;
	p2 =	seq.s32 @!p0 s5, $0x0  }
0x1f: {  	s9 =	smul.u32 $0xF7A, s1;
	s8 =	simm.s32 @!p0 $0x1BF5;
	p2 =	por !p2, p0  }
0x20: {  	[sflag:s8] =	ssyncset.s32 @!p0 $0xFFFFF086;
	s6 =	sadd.s32 @!p0 s3, s7;
	s7 =	simm.s32 @!p0 $0x108  }
0x21: {  	s3 =	sadd.s32 s3, s9;
	s6 =	sadd.s32 @!p0 $0x88, s6;
	s7 =	simm.s32 @p2 $0x1082  }
0x22: {  	[simem:s7], [sflag:s8] =	dma.local @!p0 [hbm:s6], $0xF7A  }
0x23: {  	s9 =	sor.u32 $0xD0000000, s2;
	s6 =	simm.s32 $0x108;
	_ =	swait.ge @!p0 [sflag:s8], $0x0  }
0x24: {  	s3 =	sadd.s32 $0x88, s3;
	s6 =	simm.s32 @!p1 $0x1082;
	[sflag:s4] =	ssyncset.s32 $0xFFFFF086  }
0x25: {  	[simem:s6], [sflag:s4] =	dma.local [hbm:s3], $0xF7A  }
0x26: {  	[smem:$0x3F97] =	sst s1;
	(tag) =	ssettag s2;
	_ =	strace s9  }
0x27: {  	s1 =	sld [smem:$0x3FA7]  }
0x28: {  	s2 =	sld [smem:$0x3FA8]  }
0x29: {  	s4 =	sld [smem:$0x3FAA]  }
0x2a: {  	p0 =	seq.s32 s5, $0x0;
	s5 =	sld [smem:$0x3FAB]  }
0x2b: {  	s6 =	sld [smem:$0x3FAC]  }
0x2c: {  	s7 =	sld [smem:$0x3FAD]  }
0x2d: {  	s3 =	simm.s32 $0x108;
	s8 =	sld [smem:$0x3FAE]  }
0x2e: {  	s3 =	simm.s32 @!p0 $0x1082;
	s9 =	sld [smem:$0x3FAF]  }
0x2f: {  	lr =	sadd.s32 s0, s3;
	s0 =	sld [smem:$0x3FA6]  }
0x30: {  	s3 =	sld [smem:$0x3FA9]  }
0x31: {  	[smem:$0x3FB2] =	sst s10  }
0x32: {  	s10 =	sld [smem:$0x3FB0];
	_ =	sdelay $0x3  }
0x33: {  	p0 =	seq.s32 s10, $0x1;
	s10 =	sld [smem:$0x3FB2];
	_ =	sdelay $0x3  }
0x34: {  	[smem:$0x3FB2] =	sst s10  }
0x35: {  	s10 =	sld [smem:$0x3FB1];
	_ =	sdelay $0x3  }
0x36: {  	p1 =	seq.s32 s10, $0x1;
	s10 =	sld [smem:$0x3FB2];
	_ =	sdelay $0x3  }
0x37: {  	[smem:$0x3FB2] =	sst s10  }
0x38: {  	s10 =	sld [smem:$0x3FB3]  }
0x39: {  	_ = 	snop;
	(pc) =	sbr.ind lr, $3  }
0x3a: {  	_ = 	snop  }
0x3b: {  	_ = 	snop  }
0x3c: {  	p2 =	seq.s32 s10, $0x1;
	s10 =	sld [smem:$0x3FB2]  }
0x3d: {  	_ =	shalt  }
0x3e: {  	_ =	shalt  }
0x3f: {  	_ =	shalt  }
0x40: {  	_ =	shalt  }
0x41: {  	_ =	shalt  }
0x42: {  	_ =	shalt  }
0x43: {  	_ =	shalt  }
0x44: {  	_ =	shalt  }
0x45: {  	_ =	shalt  }
0x46: {  	_ =	shalt  }
0x47: {  	_ =	shalt  }
0x48: {  	_ =	shalt  }
0x49: {  	_ =	shalt  }
0x4a: {  	_ =	shalt  }
0x4b: {  	_ =	shalt  }
0x4c: {  	_ =	shalt  }
0x4d: {  	_ =	shalt  }
0x4e: {  	_ =	shalt  }
0x4f: {  	_ =	shalt  }
0x50: {  	_ =	shalt  }
0x51: {  	_ =	shalt  }
0x52: {  	_ =	shalt  }
0x53: {  	_ =	shalt  }
0x54: {  	_ =	shalt  }
0x55: {  	_ =	shalt  }
0x56: {  	_ =	shalt  }
0x57: {  	_ =	shalt  }
0x58: {  	_ =	shalt  }
0x59: {  	_ =	shalt  }
0x5a: {  	_ =	shalt  }
0x5b: {  	_ =	shalt  }
0x5c: {  	_ =	shalt  }
0x5d: {  	_ =	shalt  }
0x5e: {  	_ =	shalt  }
0x5f: {  	_ =	shalt  }
0x60: {  	_ =	shalt  }
0x61: {  	_ =	shalt  }
0x62: {  	_ =	shalt  }
0x63: {  	_ =	shalt  }
0x64: {  	_ =	shalt  }
0x65: {  	_ =	shalt  }
0x66: {  	_ =	shalt  }
0x67: {  	_ =	shalt  }
0x68: {  	_ =	shalt  }
0x69: {  	_ =	shalt  }
0x6a: {  	_ =	shalt  }
0x6b: {  	_ =	shalt  }
0x6c: {  	_ =	shalt  }
0x6d: {  	_ =	shalt  }
0x6e: {  	_ =	shalt  }
0x6f: {  	_ =	shalt  }
0x70: {  	_ =	shalt  }
0x71: {  	_ =	shalt  }
0x72: {  	_ =	shalt  }
0x73: {  	_ =	shalt  }
0x74: {  	_ =	shalt  }
0x75: {  	_ =	shalt  }
0x76: {  	_ =	shalt  }
0x77: {  	_ =	shalt  }
0x78: {  	_ =	shalt  }
0x79: {  	_ =	shalt  }
0x7a: {  	_ =	shalt  }
0x7b: {  	_ =	shalt  }
0x7c: {  	_ =	shalt  }
0x7d: {  	_ =	shalt  }
0x7e: {  	_ =	shalt  }
0x7f: {  	_ =	shalt  }
0x80: {  	_ =	shalt  }
0x81: {  	_ =	shalt  }
0x82: {  	_ =	shalt  }
0x83: {  	_ =	shalt  }
0x84: {  	_ =	shalt  }
0x85: {  	_ =	shalt  }
0x86: {  	_ =	shalt  }
0x87: {  	_ =	shalt  }
.Lfunc_end0:
.L_simem_size_0:
called_computation_lowered:
.L_overlay_start_0:
0x88: {  	s2 =	sld [smem:$0x3FD9]  }
0x89: {  	s3 =	sld [smem:$0x3FFE];
	_ =	sdelay $0x1  }
0x8a: {  	s1 =	srdreg.scid  }
0x8b: {  	s0 =	sand.u32 $0x1, s1  }
0x8c: {  	s17 =	sshll.u32 s0, $0xA;
	s2 =	sadd.s32 s3, s2  }
0x8d: {  	s2 =	sadd.s32 s2, s17  }
0x8e: {  	[smem:$0x3FBE] =	sst s2  }
0x8f: {  	_ = 	snop  }
0x90: {  	s2 =	sld [smem:$0x3FC9];
	(tm) =	ssettm $0x1  }
0x91: {  	s18 =	sld [smem:$0x3FFB];
	_ =	sdelay $0x3  }
0x92: {  	_ =	strace s18  }
0x93: {  	s3 =	sld [smem:$0x3FFC];
	_ =	sdelay $0x3  }
0x94: {  	_ =	strace s3  }
0x95: {  	s3 =	sld [smem:$0x3FFD];
	_ =	sdelay $0x3  }
0x96: {  	_ =	strace s3  }
0x97: {  	_ =	strace $0x8FFFFFFF  }
0x98: {  	s19 =	sld [smem:$0x3FDB];
	_ =	sdelay $0x1  }
0x99: {  	s4 =	simm.s32 $_scs_section_size  }
0x9a: {  	s5 =	simm.s32 $_size__tile_overlayer_lowered;
	s6 =	simm.s32 $_tile_overlayer_lowered  }
0x9b: {  	s22 =	simm.s32 $0x1BFF;
	s21 =	sshll.u32 s6, $0x1;
	s3 =	sadd.s32 s4, s19  }
0x9c: {  	s7 =	simm.s32 $0x0;
	s20 =	sshll.u32 s5, $0x1;
	s5 =	sadd.s32 s21, s3  }
0x9d: {  	[timem:s7], [sflag:s22] =	dma.local [hbm:s5], s20  }
0x9e: {  	_ =	swait.ge [sflag:s22], s20  }
0x9f: {  	s4 =	ssub.s32 $0x0, s20;
	[sflag:s22] =	ssyncset.done $0x0  }
0xa0: {  	[sflag:s22] =	ssyncadd.s32 s4;
	_ =	sdelay $0x1  }
0xa1: {  	s23 =	simm.s32 $0x1B8B  }
0xa2: {  	_ =	swait.ge [sflag:s23], $0x1  }
0xa3: {  	[sflag:s23] =	ssyncset.done $0x0  }
0xa4: {  	s25 =	simm.s32 $0x1B8E;
	s24 =	sld [smem:$0x3FFE];
	[sflag:s23] =	ssyncadd.s32 $0xFFFFFFFF  }
0xa5: {  	s26 =	simm.s32 $execute0_lowered;
	[smem:$0x3FD2] =	sst s25  }
0xa6: {  	s5 =	sshll.u32 s26, $0x1;
	_ =	strace $0x80000046;
	[dreg:$0x1] =	wrdreg $0xFFFFFFFF  }
0xa7: {  	s28 =	simm.s32 $_size_execute0_lowered;
	s3 =	sadd.s32 s3, s5;
	[dreg:$0x0] =	wrdreg $0x0  }
0xa8: {  	s5 =	sshll.u32 s28, $0x1;
	[dreg:$0x2] =	wrdreg s3  }
0xa9: {  	[dreg:$0x3] =	wrdreg s5  }
0xaa: {  	[dreg:$0x4] =	wrdreg $0xC0  }
0xab: {  	_ =	task [dreg:s7], $0x5FFFF  }
0xac: {  	[dreg:$0x1] =	wrdreg $0xFFFFFFFF  }
0xad: {  	[dreg:$0x0] =	wrdreg $0x60  }
0xae: {  	[dreg:$0x2] =	wrdreg s2  }
0xaf: {  	[dreg:$0x3] =	wrdreg s24  }
0xb0: {  	[dreg:$0x4] =	wrdreg $0x0  }
0xb1: {  	[dreg:$0x5] =	wrdreg $0x9  }
0xb2: {  	_ =	task.clear_ibuf [dreg:s7], $0x6FFFF;
	_ =	strace $0x90000046  }
0xb3: {  	s29 =	simm.s32 $0x9;
	_ =	strace $0x80000048  }
0xb4: {  	_ =	swait.ge [sflag:s29], $0x1  }
0xb5: {  	[sflag:s29] =	ssyncadd.s32 $0xFFFFFFFF  }
0xb6: {  	_ =	strace $0x90000048  }
0xb7: {  	_ =	sfence  }
0xb8: {  	s30 =	sld [smem:$0x0];
	_ =	sdelay $0x2  }
0xb9: {  	s31 =	sshll.u32 s1, $0xD;
	s1 =	sshrl.u32 s1, $0x2  }
0xba: {  	s3 =	sand.u32 $0x4000, s31;
	s1 =	sadd.s32 s1, s30  }
0xbb: {  	s0 =	sor.u32 s3, s0;
	s1 =	sshll.u32 s1, $0x11  }
0xbc: {  	s0 =	sor.u32 s1, s0  }
0xbd: {  	s0 =	sadd.s32 $0x8F2B, s0  }
0xbe: {  	[sflag:s0] =	ssyncadd.remote.s32 $0x1  }
0xbf: {  	_ =	sfence.sel $0xFFFF  }
0xc0: {  	[dreg:$0x0] =	wrdreg $0xFFFFFFFF;
	(pc) =	sbr.abs _section_cstart, $3  }
0xc1: {  	[dreg:$0x1] =	wrdreg $0xFFFFFFFF  }
0xc2: {  	_ =	task.clear_ibuf [dreg:s7], $0x2FFFF;
	_ =	strace $0x9FFFFFFF  }
0xc3: {  	(tm) =	ssettm $0x7FFFFFFF  }
tec
execute0_lowered:
.L_overlay_start_1:
0x0: {  	(tag) =	ssettag $0x1  }
0x1: {  	s1 =	rddreg [dreg:$0x0]  }
0x2: {  	s0 =	srdreg.scid;
	s5 =	rddreg [dreg:$0x1]  }
0x3: {  	s11 =	stileid.u32;
	s3 =	rddreg [dreg:$0x2];
	s22 =	simm.s32 $0x0  }
0x4: {  	s14 =	simm.s32 $0x400;
	s15 =	simm.s32 $0x13C00;
	s16 =	simm.s32 $0x16380  }
0x5: {  	s17 =	simm.s32 $0x5;
	s18 =	simm.s32 $0x58;
	s19 =	simm.s32 $0x19F80  }
0x6: {  	s20 =	simm.s32 $0x13C58;
	s28 =	simm.s32 $0x19C00;
	s29 =	simm.s32 $0x6  }
0x7: {  	s30 =	simm.s32 $0x0;
	s0 =	sand.u32 $0x1, s0;
	s23 =	smul.u32 $0x13C00, s11  }
0x8: {  	s2 =	sshll.u32 s11, $0x1;
	s4 =	sshrl.u32 s11, $0x2;
	s25 =	smul.u32 $0x4F000, s11  }
0x9: {  	[smem:$0x7FF] =	sst s22;
	s22 =	simm.s32 $0x1;
	s6 =	smul.u32 $0x13C00, s4  }
0xa: {  	s2 =	sor.u32 s0, s2;
	s8 =	smul.u32 $0x13C000, s0;
	_ =	strace $0x80000047  }
0xb: {  	s0 =	ssub.s32 $0x2, s0;
	s21 =	sshll.u32 s2, $0x7;
	s2 =	smul.u32 $0x780, s2  }
0xc: {  	s24 =	sshrl.u32 s23, $0x3;
	s26 =	sshrl.u32 s0, $0x1;
	s31 =	sshrl.u32 s25, $0x2  }
0xd: {  	s25 =	simm.s32 $0x4;
	s7 =	sand.u32 $0x380, s21;
	s0 =	ssub.s32 s0, s26  }
0xe: {  	s12 =	sadd.s32 s31, s3;
	s21 =	simm.s32 $0x1CF80;
	s26 =	simm.s32 $0x19B80  }
0xf: {  	s6 =	sor.u32 s6, s7;
	s2 =	sadd.s32 s2, s5;
	s7 =	sadd.s32 s23, s8  }
0x10: {  	s12 =	sshrl.u32 s12, $0x3;
	s23 =	simm.s32 $0x3;
	s6 =	sshrl.u32 s6, $0x3  }
0x11: {  	s7 =	sshrl.u32 s7, $0x3;
	s9 =	sadd.s32 s6, s5;
	s6 =	sadd.s32 s24, s5  }
0x12: {  	s10 =	sadd.s32 s7, s5;
	s5 =	sshll.u32 s11, $0x6;
	s11 =	smax.u32 s0, $0x1  }
0x13: {  	s24 =	simm.s32 $0x2;
	s6 =	sadd.s32 $0x1AE00, s6;
	s7 =	sor.u32 $0x1C05, s5  }
0x14: {  	s8 =	sadd.s32 $0x11000, s9;
	s9 =	sadd.s32 $0x2000, s2;
	s10 =	sadd.s32 $0x42600, s10  }
.LBB2_1:
0x15: {  	[spmem:s12], [sflag:s7] =	dma.local [hbm:s6], $0x2780  }
0x16: {  	s0 =	simm.s32 $0x80  }
0x17: {  	[tilespmem:s15], [sflag:$0x5] =	stream.strided.gather [hbm4b:s8+s0], $0x2780, s14, s0, $0x38;
	[tilespmem:$0x1FF80] =	vst v63  }
0x18: {  	s13 =	simm.s32 $0x0  }
0x19: {  	[tilespmem:s16], [sflag:$0x5] =	stream.linear.gather [hbm4b:s9+s13], $0x3900, $0x38;
	[tilespmem:$0x1FF80] =	vst v63  }
0x1a: {  	_ =	swait.ge [sflag:s17], $0x2780  }
0x1b: {  	[sflag:s17] =	ssyncset.done $0x0  }
0x1c: {  	[sflag:s17] =	ssyncadd.s32 $0xFFFFD880  }
0x1d: {  	_ =	swait.ge [sflag:s17], $0x2780  }
0x1e: {  	[sflag:s17] =	ssyncset.done $0x0  }
0x1f: {  	[sflag:s17] =	ssyncadd.s32 $0xFFFFD880  }
0x20: {  	_ =	swait.ge [sflag:s17], $0x3900  }
0x21: {  	[sflag:s17] =	ssyncset.done $0x0  }
0x22: {  	[sflag:s17] =	ssyncadd.s32 $0xFFFFC700  }
0x23: {  	[bflag:$0x0] =	sbarrier.arrive $0xFFFF  }
0x24: {  	[tilespmem:s19], [sflag:$0x1] =	stream.indirect.gather [hbm4b:s1+s18], $0x80, s15, s18, $0xb8;
	[tilespmem:$0x1FF80] =	vst v63  }
0x25: {  	_ = 	snop  }
0x26: {  	[tilespmem:s21], [sflag:$0x2] =	stream.indirect.gather [hbm4b:s1+s18], $0x80, s20, s18, $0xb8;
	[tilespmem:$0x1FF80] =	vst v63  }
0x27: {  	_ =	swait.ge [sflag:s22], $0x2C00  }
0x28: {  	[sflag:s22] =	ssyncset.done $0x0  }
0x29: {  	s2 =	simm.s32 $0x16380;
	[sflag:s22] =	ssyncadd.s32 $0xFFFFD400  }
0x2a: {  	[spmem:s3] =	stream.indirect.scatter.add.f32 [tilespmem:s19], [sflag:$0x3], $0x80, s2, s18, $0xb8;
	[tilespmem:$0x1FF80] =	vst v63  }
0x2b: {  	_ =	swait.ge [sflag:s23], $0x2C00  }
0x2c: {  	[sflag:s23] =	ssyncset.done $0x0  }
0x2d: {  	s4 =	simm.s32 $0x13CB0;
	[sflag:s23] =	ssyncadd.s32 $0xFFFFD400  }
0x2e: {  	[tilespmem:s19], [sflag:$0x1] =	stream.indirect.gather [hbm4b:s1+s18], $0x80, s4, s18, $0xb8;
	[tilespmem:$0x1FF80] =	vst v63  }
0x2f: {  	_ =	swait.ge [sflag:s24], $0x2C00  }
0x30: {  	[sflag:s24] =	ssyncset.done $0x0  }
0x31: {  	s13 =	simm.s32 $0x16400;
	[sflag:s24] =	ssyncadd.s32 $0xFFFFD400  }
0x32: {  	[spmem:s3] =	stream.indirect.scatter.add.f32 [tilespmem:s21], [sflag:$0x4], $0x80, s13, s18, $0xb8;
	[tilespmem:$0x1FF80] =	vst v63  }
0x33: {  	_ =	swait.ge [sflag:s25], $0x2C00  }
0x34: {  	s31 =	simm.s32 $0x13D08;
	[sflag:s25] =	ssyncset.done $0x0  }
0x35: {  	s0 =	simm.s32 $0x13DB8;
	s2 =	simm.s32 $0x400;
	[sflag:s25] =	ssyncadd.s32 $0xFFFFD400  }
.LBB2_2:
0x36: {  	[tilespmem:s21], [sflag:$0x2] =	stream.indirect.gather [hbm4b:s1+s18], $0x80, s31, s18, $0xb8;
	[tilespmem:$0x1FF80] =	vst v63  }
0x37: {  	s4 =	smov.u32 s2;
	s31 =	smov.u32 s0  }
0x38: {  	p0 =	sne.s32 s2, $0xDC00;
	s2 =	sadd.s32 $0x400, s2;
	_ =	swait.ge [sflag:s22], $0x2C00  }
0x39: {  	s4 =	sshra.s32 s4, $0x2;
	[sflag:s22] =	ssyncset.done $0x0  }
0x3a: {  	s13 =	sadd.s32 $0x16380, s4;
	[sflag:s22] =	ssyncadd.s32 $0xFFFFD400  }
0x3b: {  	[spmem:s3] =	stream.indirect.scatter.add.f32 [tilespmem:s19], [sflag:$0x3], $0x80, s13, s18, $0xb8;
	[tilespmem:$0x1FF80] =	vst v63  }
0x3c: {  	_ =	swait.ge [sflag:s23], $0x2C00  }
0x3d: {  	[sflag:s23] =	ssyncset.done $0x0  }
0x3e: {  	s13 =	sadd.s32 $0xFFFFFFA8, s0;
	[sflag:s23] =	ssyncadd.s32 $0xFFFFD400  }
0x3f: {  	[tilespmem:s19], [sflag:$0x1] =	stream.indirect.gather [hbm4b:s1+s18], $0x80, s13, s18, $0xb8;
	[tilespmem:$0x1FF80] =	vst v63  }
0x40: {  	_ =	swait.ge [sflag:s24], $0x2C00  }
0x41: {  	[sflag:s24] =	ssyncset.done $0x0  }
.Ltmp0:
0x42: {  	s4 =	sadd.s32 $0x16400, s4;
	[sflag:s24] =	ssyncadd.s32 $0xFFFFD400;
	(pc) =	sbr.rel @p0 .LBB2_2-.Ltmp0, $4  }
0x43: {  	[spmem:s3] =	stream.indirect.scatter.add.f32 [tilespmem:s21], [sflag:$0x4], $0x80, s4, s18, $0xb8;
	[tilespmem:$0x1FF80] =	vst v63  }
0x44: {  	_ =	swait.ge [sflag:s25], $0x2C00  }
0x45: {  	[sflag:s25] =	ssyncset.done $0x0  }
0x46: {  	s0 =	sadd.s32 $0xB0, s0;
	[sflag:s25] =	ssyncadd.s32 $0xFFFFD400  }
0x47: {  	[tilespmem:s21], [sflag:$0x2] =	stream.indirect.gather [hbm4b:s1+s18], $0x80, s31, s18, $0xb8;
	[tilespmem:$0x1FF80] =	vst v63  }
0x48: {  	_ =	swait.ge [sflag:s22], $0x2C00  }
0x49: {  	[sflag:s22] =	ssyncset.done $0x0  }
0x4a: {  	[sflag:s22] =	ssyncadd.s32 $0xFFFFD400  }
0x4b: {  	[spmem:s3] =	stream.indirect.scatter.add.f32 [tilespmem:s19], [sflag:$0x3], $0x80, s26, s18, $0xb8;
	[tilespmem:$0x1FF80] =	vst v63  }
0x4c: {  	_ =	swait.ge [sflag:s23], $0x2C00  }
0x4d: {  	[sflag:s23] =	ssyncset.done $0x0  }
0x4e: {  	[sflag:s23] =	ssyncadd.s32 $0xFFFFD400  }
0x4f: {  	_ =	swait.ge [sflag:s24], $0x2C00  }
0x50: {  	[sflag:s24] =	ssyncset.done $0x0  }
0x51: {  	[sflag:s24] =	ssyncadd.s32 $0xFFFFD400  }
0x52: {  	[spmem:s3] =	stream.indirect.scatter.add.f32 [tilespmem:s21], [sflag:$0x4], $0x80, s28, s18, $0xb8;
	[tilespmem:$0x1FF80] =	vst v63  }
0x53: {  	_ =	swait.ge [sflag:s25], $0x2C00  }
0x54: {  	s30 =	sadd.s32 $0x1, s30;
	[sflag:s25] =	ssyncset.done $0x0  }
0x55: {  	p0 =	sne.s32 s30, s11;
	[sflag:s25] =	ssyncadd.s32 $0xFFFFD400  }
.Ltmp1:
0x56: {  	s0 =	sor.u32 $0x1C06, s5;
	[bflag:$0x0] =	sbarrier.arrive $0xFFFF;
	(pc) =	sbr.rel @p0 .LBB2_1-.Ltmp1, $4  }
0x57: {  	[hbm:s10], [sflag:s0] =	dma.local [spmem:s12], $0x2780  }
0x58: {  	_ =	swait.ge [sflag:s29], $0x2780  }
0x59: {  	[sflag:s29] =	ssyncset.done $0x0  }
0x5a: {  	[sflag:s29] =	ssyncadd.s32 $0xFFFFD880  }
0x5b: {  	_ =	sfence.sel $0x180000  }
0x5c: {  	[bflag:$0x0] =	sbarrier.arrive $0xFFFF  }
0x5d: {  	_ =	strace $0x90000047  }
0x5e: {  	s0 =	stileid.u32;
	[bflag:$0x2] =	sbarrier.arrive $0xFFFF  }
0x5f: {  	p0 =	sne.s32 s0, $0x0;
	s0 =	rddreg [dreg:$0x3]  }
0x60: {  	s0 =	sadd.s32 @!p0 $0x100000, s0  }
0x61: {  	[sflag:s0] =	ssyncadd.tile.s32 @!p0 $0x1;
	_ =	shalt  }
.Lfunc_end2:
_tile_overlayer_lowered:
.L_overlay_start_2:
0x62: {  	(tag) =	ssettag $0x2  }
0x63: {  	s0 =	rddreg [dreg:$0x0];
	s2 =	stileid.u32  }
0x64: {  	s1 =	rddreg [dreg:$0x1];
	p0 =	sne.s32 s2, $0x0  }
0x65: {  	s3 =	rddreg [dreg:$0x2];
	[bflag:$0x3] =	sbarrier.arrive $0xFFFF;
	s2 =	simm.s32 @!p0 $0x1C06  }
0x66: {  	[timem:s3], [sflag:s2] =	dma.local @!p0 [hbm:s0], s1  }
0x67: {  	s0 =	simm.s32 @!p0 $0x6  }
0x68: {  	_ =	swait.ge @!p0 [sflag:s0], s1  }
0x69: {  	s1 =	ssub.s32 @!p0 $0x0, s1;
	[sflag:s0] =	ssyncset.done @!p0 $0x0  }
0x6a: {  	[sflag:s0] =	ssyncadd.s32 @!p0 s1  }
0x6b: {  	[bflag:$0x3] =	sbarrier.arrive $0xFFFF  }
0x6c: {  	_ =	shalt  }

// kernel: kernel.9.cloned.1.call-start
scs
__scs_entry_jumppad:
0x0: {  	(pc) =	sbr.rel $0x88, $3  }
0x1: {  	(tag) =	ssettag $0x0;
	lr =	simm.s32 $0x1  }
0x2: {  	[smem:$0x3F97] =	sst lr;
	_ =	strace $0xD0000000  }
0x3: {  	_ = 	snop  }
0x4: {  	_ = 	snop  }
0x5: {  	_ = 	snop  }
0x6: {  	_ = 	snop  }
0x7: {  	_ = 	snop  }
__scs_overlays_trampoline_lowered:
0x8: {  	[smem:$0x3FA6] =	sst s0  }
0x9: {  	[smem:$0x3FA7] =	sst s1  }
0xa: {  	[smem:$0x3FA8] =	sst s2  }
0xb: {  	[smem:$0x3FA9] =	sst s3  }
0xc: {  	[smem:$0x3FAA] =	sst s4  }
0xd: {  	[smem:$0x3FAB] =	sst s5  }
0xe: {  	[smem:$0x3FAC] =	sst s6  }
0xf: {  	[smem:$0x3FAD] =	sst s7  }
0x10: {  	[smem:$0x3FAE] =	sst s8  }
0x11: {  	[smem:$0x3FAF] =	sst s9;
	s0 =	simm.s32 @!p0 $0x0  }
0x12: {  	s1 =	sld [smem:$0x3F95];
	s0 =	simm.s32 @p0 $0x1  }
0x13: {  	[smem:$0x3FB0] =	sst s0;
	s0 =	simm.s32 @!p1 $0x0  }
0x14: {  	s2 =	sld [smem:$0x3F94];
	s0 =	simm.s32 @p1 $0x1  }
0x15: {  	[smem:$0x3FB1] =	sst s0;
	s0 =	simm.s32 @!p2 $0x0  }
0x16: {  	s3 =	sld [smem:$0x3FDB];
	s0 =	simm.s32 @p2 $0x1  }
0x17: {  	s4 =	simm.s32 $0x1BF5;
	[smem:$0x3FB3] =	sst s0  }
0x18: {  	s0 =	sld [smem:$0x3F96];
	_ =	swait.ge [sflag:s4], $0x0  }
0x19: {  	s7 =	sld [smem:$0x3F97]  }
0x1a: {  	s8 =	sadd.s32 $0xFFFFE003, lr  }
0x1b: {  	s9 =	sadd.s32 $0xFFFFFEF7, lr;
	s5 =	simm.s32 $0xFFFFFFFF;
	p2 =	slt.u32 s8, $0xFFFFF086  }
0x1c: {  	p1 =	slt.u32 s9, $0xF7A;
	s5 =	simm.s32 @!p2 $0x0  }
0x1d: {  	s5 =	simm.s32 @p1 $0x1;
	p0 =	seq.s32 s7, s2  }
0x1e: {  	s7 =	smul.u32 @!p0 $0xF7A, s2;
	p2 =	seq.s32 @!p0 s5, $0x0  }
0x1f: {  	s9 =	smul.u32 $0xF7A, s1;
	s8 =	simm.s32 @!p0 $0x1BF5;
	p2 =	por !p2, p0  }
0x20: {  	[sflag:s8] =	ssyncset.s32 @!p0 $0xFFFFF086;
	s6 =	sadd.s32 @!p0 s3, s7;
	s7 =	simm.s32 @!p0 $0x108  }
0x21: {  	s3 =	sadd.s32 s3, s9;
	s6 =	sadd.s32 @!p0 $0x88, s6;
	s7 =	simm.s32 @p2 $0x1082  }
0x22: {  	[simem:s7], [sflag:s8] =	dma.local @!p0 [hbm:s6], $0xF7A  }
0x23: {  	s9 =	sor.u32 $0xD0000000, s2;
	s6 =	simm.s32 $0x108;
	_ =	swait.ge @!p0 [sflag:s8], $0x0  }
0x24: {  	s3 =	sadd.s32 $0x88, s3;
	s6 =	simm.s32 @!p1 $0x1082;
	[sflag:s4] =	ssyncset.s32 $0xFFFFF086  }
0x25: {  	[simem:s6], [sflag:s4] =	dma.local [hbm:s3], $0xF7A  }
0x26: {  	[smem:$0x3F97] =	sst s1;
	(tag) =	ssettag s2;
	_ =	strace s9  }
0x27: {  	s1 =	sld [smem:$0x3FA7]  }
0x28: {  	s2 =	sld [smem:$0x3FA8]  }
0x29: {  	s4 =	sld [smem:$0x3FAA]  }
0x2a: {  	p0 =	seq.s32 s5, $0x0;
	s5 =	sld [smem:$0x3FAB]  }
0x2b: {  	s6 =	sld [smem:$0x3FAC]  }
0x2c: {  	s7 =	sld [smem:$0x3FAD]  }
0x2d: {  	s3 =	simm.s32 $0x108;
	s8 =	sld [smem:$0x3FAE]  }
0x2e: {  	s3 =	simm.s32 @!p0 $0x1082;
	s9 =	sld [smem:$0x3FAF]  }
0x2f: {  	lr =	sadd.s32 s0, s3;
	s0 =	sld [smem:$0x3FA6]  }
0x30: {  	s3 =	sld [smem:$0x3FA9]  }
0x31: {  	[smem:$0x3FB2] =	sst s10  }
0x32: {  	s10 =	sld [smem:$0x3FB0];
	_ =	sdelay $0x3  }
0x33: {  	p0 =	seq.s32 s10, $0x1;
	s10 =	sld [smem:$0x3FB2];
	_ =	sdelay $0x3  }
0x34: {  	[smem:$0x3FB2] =	sst s10  }
0x35: {  	s10 =	sld [smem:$0x3FB1];
	_ =	sdelay $0x3  }
0x36: {  	p1 =	seq.s32 s10, $0x1;
	s10 =	sld [smem:$0x3FB2];
	_ =	sdelay $0x3  }
0x37: {  	[smem:$0x3FB2] =	sst s10  }
0x38: {  	s10 =	sld [smem:$0x3FB3]  }
0x39: {  	_ = 	snop;
	(pc) =	sbr.ind lr, $3  }
0x3a: {  	_ = 	snop  }
0x3b: {  	_ = 	snop  }
0x3c: {  	p2 =	seq.s32 s10, $0x1;
	s10 =	sld [smem:$0x3FB2]  }
0x3d: {  	_ =	shalt  }
0x3e: {  	_ =	shalt  }
0x3f: {  	_ =	shalt  }
0x40: {  	_ =	shalt  }
0x41: {  	_ =	shalt  }
0x42: {  	_ =	shalt  }
0x43: {  	_ =	shalt  }
0x44: {  	_ =	shalt  }
0x45: {  	_ =	shalt  }
0x46: {  	_ =	shalt  }
0x47: {  	_ =	shalt  }
0x48: {  	_ =	shalt  }
0x49: {  	_ =	shalt  }
0x4a: {  	_ =	shalt  }
0x4b: {  	_ =	shalt  }
0x4c: {  	_ =	shalt  }
0x4d: {  	_ =	shalt  }
0x4e: {  	_ =	shalt  }
0x4f: {  	_ =	shalt  }
0x50: {  	_ =	shalt  }
0x51: {  	_ =	shalt  }
0x52: {  	_ =	shalt  }
0x53: {  	_ =	shalt  }
0x54: {  	_ =	shalt  }
0x55: {  	_ =	shalt  }
0x56: {  	_ =	shalt  }
0x57: {  	_ =	shalt  }
0x58: {  	_ =	shalt  }
0x59: {  	_ =	shalt  }
0x5a: {  	_ =	shalt  }
0x5b: {  	_ =	shalt  }
0x5c: {  	_ =	shalt  }
0x5d: {  	_ =	shalt  }
0x5e: {  	_ =	shalt  }
0x5f: {  	_ =	shalt  }
0x60: {  	_ =	shalt  }
0x61: {  	_ =	shalt  }
0x62: {  	_ =	shalt  }
0x63: {  	_ =	shalt  }
0x64: {  	_ =	shalt  }
0x65: {  	_ =	shalt  }
0x66: {  	_ =	shalt  }
0x67: {  	_ =	shalt  }
0x68: {  	_ =	shalt  }
0x69: {  	_ =	shalt  }
0x6a: {  	_ =	shalt  }
0x6b: {  	_ =	shalt  }
0x6c: {  	_ =	shalt  }
0x6d: {  	_ =	shalt  }
0x6e: {  	_ =	shalt  }
0x6f: {  	_ =	shalt  }
0x70: {  	_ =	shalt  }
0x71: {  	_ =	shalt  }
0x72: {  	_ =	shalt  }
0x73: {  	_ =	shalt  }
0x74: {  	_ =	shalt  }
0x75: {  	_ =	shalt  }
0x76: {  	_ =	shalt  }
0x77: {  	_ =	shalt  }
0x78: {  	_ =	shalt  }
0x79: {  	_ =	shalt  }
0x7a: {  	_ =	shalt  }
0x7b: {  	_ =	shalt  }
0x7c: {  	_ =	shalt  }
0x7d: {  	_ =	shalt  }
0x7e: {  	_ =	shalt  }
0x7f: {  	_ =	shalt  }
0x80: {  	_ =	shalt  }
0x81: {  	_ =	shalt  }
0x82: {  	_ =	shalt  }
0x83: {  	_ =	shalt  }
0x84: {  	_ =	shalt  }
0x85: {  	_ =	shalt  }
0x86: {  	_ =	shalt  }
0x87: {  	_ =	shalt  }
.Lfunc_end0:
.L_simem_size_0:
called_computation.1_lowered:
.L_overlay_start_0:
0x88: {  	s2 =	sld [smem:$0x3FD9]  }
0x89: {  	s3 =	sld [smem:$0x3FFE];
	_ =	sdelay $0x1  }
0x8a: {  	s1 =	srdreg.scid  }
0x8b: {  	s0 =	sand.u32 $0x1, s1  }
0x8c: {  	s17 =	sshll.u32 s0, $0xA;
	s2 =	sadd.s32 s3, s2  }
0x8d: {  	s2 =	sadd.s32 s2, s17  }
0x8e: {  	[smem:$0x3FBE] =	sst s2  }
0x8f: {  	_ = 	snop  }
0x90: {  	s2 =	sld [smem:$0x3FD0];
	(tm) =	ssettm $0x1  }
0x91: {  	s18 =	sld [smem:$0x3FFB];
	_ =	sdelay $0x3  }
0x92: {  	_ =	strace s18  }
0x93: {  	s3 =	sld [smem:$0x3FFC];
	_ =	sdelay $0x3  }
0x94: {  	_ =	strace s3  }
0x95: {  	s3 =	sld [smem:$0x3FFD];
	_ =	sdelay $0x3  }
0x96: {  	_ =	strace s3  }
0x97: {  	_ =	strace $0x8FFFFFFF  }
0x98: {  	s19 =	sld [smem:$0x3FDB];
	_ =	sdelay $0x1  }
0x99: {  	s4 =	simm.s32 $_scs_section_size  }
0x9a: {  	s5 =	simm.s32 $_size__tile_overlayer_lowered;
	s6 =	simm.s32 $_tile_overlayer_lowered  }
0x9b: {  	s22 =	simm.s32 $0x1BFF;
	s21 =	sshll.u32 s6, $0x1;
	s3 =	sadd.s32 s4, s19  }
0x9c: {  	s7 =	simm.s32 $0x0;
	s20 =	sshll.u32 s5, $0x1;
	s5 =	sadd.s32 s21, s3  }
0x9d: {  	[timem:s7], [sflag:s22] =	dma.local [hbm:s5], s20  }
0x9e: {  	_ =	swait.ge [sflag:s22], s20  }
0x9f: {  	s4 =	ssub.s32 $0x0, s20;
	[sflag:s22] =	ssyncset.done $0x0  }
0xa0: {  	[sflag:s22] =	ssyncadd.s32 s4;
	_ =	sdelay $0x1  }
0xa1: {  	s23 =	simm.s32 $0x1B8B  }
0xa2: {  	_ =	swait.ge [sflag:s23], $0x1  }
0xa3: {  	[sflag:s23] =	ssyncset.done $0x0  }
0xa4: {  	s25 =	simm.s32 $0x1B8E;
	s24 =	sld [smem:$0x3FFE];
	[sflag:s23] =	ssyncadd.s32 $0xFFFFFFFF  }
0xa5: {  	s26 =	simm.s32 $execute0_lowered;
	[smem:$0x3FD2] =	sst s25  }
0xa6: {  	s5 =	sshll.u32 s26, $0x1;
	_ =	strace $0x80000049;
	[dreg:$0x1] =	wrdreg $0xFFFFFFFF  }
0xa7: {  	s28 =	simm.s32 $_size_execute0_lowered;
	s3 =	sadd.s32 s3, s5;
	[dreg:$0x0] =	wrdreg $0x0  }
0xa8: {  	s5 =	sshll.u32 s28, $0x1;
	[dreg:$0x2] =	wrdreg s3  }
0xa9: {  	[dreg:$0x3] =	wrdreg s5  }
0xaa: {  	[dreg:$0x4] =	wrdreg $0xC0  }
0xab: {  	_ =	task [dreg:s7], $0x5FFFF  }
0xac: {  	[dreg:$0x1] =	wrdreg $0xFFFFFFFF  }
0xad: {  	[dreg:$0x0] =	wrdreg $0x60  }
0xae: {  	[dreg:$0x2] =	wrdreg s2  }
0xaf: {  	[dreg:$0x3] =	wrdreg s24  }
0xb0: {  	[dreg:$0x4] =	wrdreg $0x0  }
0xb1: {  	[dreg:$0x5] =	wrdreg $0x9  }
0xb2: {  	_ =	task.clear_ibuf [dreg:s7], $0x6FFFF;
	_ =	strace $0x90000049  }
0xb3: {  	s29 =	simm.s32 $0x9;
	_ =	strace $0x8000004B  }
0xb4: {  	_ =	swait.ge [sflag:s29], $0x1  }
0xb5: {  	[sflag:s29] =	ssyncadd.s32 $0xFFFFFFFF  }
0xb6: {  	_ =	strace $0x9000004B  }
0xb7: {  	_ =	sfence  }
0xb8: {  	s30 =	sld [smem:$0x0];
	_ =	sdelay $0x2  }
0xb9: {  	s31 =	sshll.u32 s1, $0xD;
	s1 =	sshrl.u32 s1, $0x2  }
0xba: {  	s3 =	sand.u32 $0x4000, s31;
	s1 =	sadd.s32 s1, s30  }
0xbb: {  	s0 =	sor.u32 s3, s0;
	s1 =	sshll.u32 s1, $0x11  }
0xbc: {  	s0 =	sor.u32 s1, s0  }
0xbd: {  	s0 =	sadd.s32 $0x8F2B, s0  }
0xbe: {  	[sflag:s0] =	ssyncadd.remote.s32 $0x1  }
0xbf: {  	_ =	sfence.sel $0xFFFF  }
0xc0: {  	[dreg:$0x0] =	wrdreg $0xFFFFFFFF;
	(pc) =	sbr.abs _section_cstart, $3  }
0xc1: {  	[dreg:$0x1] =	wrdreg $0xFFFFFFFF  }
0xc2: {  	_ =	task.clear_ibuf [dreg:s7], $0x2FFFF;
	_ =	strace $0x9FFFFFFF  }
0xc3: {  	(tm) =	ssettm $0x7FFFFFFF  }
tec
execute0_lowered:
.L_overlay_start_1:
0x0: {  	(tag) =	ssettag $0x1  }
0x1: {  	s1 =	rddreg [dreg:$0x0]  }
0x2: {  	s0 =	srdreg.scid;
	s5 =	rddreg [dreg:$0x1]  }
0x3: {  	s11 =	stileid.u32;
	s3 =	rddreg [dreg:$0x2];
	s22 =	simm.s32 $0x0  }
0x4: {  	s14 =	simm.s32 $0x400;
	s15 =	simm.s32 $0x13C00;
	s16 =	simm.s32 $0x16380  }
0x5: {  	s17 =	simm.s32 $0x5;
	s18 =	simm.s32 $0x58;
	s19 =	simm.s32 $0x19F80  }
0x6: {  	s20 =	simm.s32 $0x13C58;
	s28 =	simm.s32 $0x19C00;
	s29 =	simm.s32 $0x6  }
0x7: {  	s30 =	simm.s32 $0x0;
	s0 =	sand.u32 $0x1, s0;
	s23 =	smul.u32 $0x13C00, s11  }
0x8: {  	s2 =	sshll.u32 s11, $0x1;
	s4 =	sshrl.u32 s11, $0x2;
	s25 =	smul.u32 $0x4F000, s11  }
0x9: {  	[smem:$0x7FF] =	sst s22;
	s22 =	simm.s32 $0x1;
	s6 =	smul.u32 $0x13C00, s4  }
0xa: {  	s2 =	sor.u32 s0, s2;
	s8 =	smul.u32 $0x13C000, s0;
	_ =	strace $0x8000004A  }
0xb: {  	s0 =	ssub.s32 $0x2, s0;
	s21 =	sshll.u32 s2, $0x7;
	s2 =	smul.u32 $0x780, s2  }
0xc: {  	s24 =	sshrl.u32 s23, $0x3;
	s26 =	sshrl.u32 s0, $0x1;
	s31 =	sshrl.u32 s25, $0x2  }
0xd: {  	s25 =	simm.s32 $0x4;
	s7 =	sand.u32 $0x380, s21;
	s0 =	ssub.s32 s0, s26  }
0xe: {  	s12 =	sadd.s32 s31, s3;
	s21 =	simm.s32 $0x1CF80;
	s26 =	simm.s32 $0x19B80  }
0xf: {  	s6 =	sor.u32 s6, s7;
	s2 =	sadd.s32 s2, s5;
	s7 =	sadd.s32 s23, s8  }
0x10: {  	s12 =	sshrl.u32 s12, $0x3;
	s23 =	simm.s32 $0x3;
	s6 =	sshrl.u32 s6, $0x3  }
0x11: {  	s7 =	sshrl.u32 s7, $0x3;
	s9 =	sadd.s32 s6, s5;
	s6 =	sadd.s32 s24, s5  }
0x12: {  	s10 =	sadd.s32 s7, s5;
	s5 =	sshll.u32 s11, $0x6;
	s11 =	smax.u32 s0, $0x1  }
0x13: {  	s24 =	simm.s32 $0x2;
	s6 =	sadd.s32 $0x1AE00, s6;
	s7 =	sor.u32 $0x1C05, s5  }
0x14: {  	s8 =	sadd.s32 $0x11000, s9;
	s9 =	sadd.s32 $0x2000, s2;
	s10 =	sadd.s32 $0x42600, s10  }
.LBB2_1:
0x15: {  	[spmem:s12], [sflag:s7] =	dma.local [hbm:s6], $0x2780  }
0x16: {  	s0 =	simm.s32 $0x80  }
0x17: {  	[tilespmem:s15], [sflag:$0x5] =	stream.strided.gather [hbm4b:s8+s0], $0x2780, s14, s0, $0x38;
	[tilespmem:$0x1FF80] =	vst v63  }
0x18: {  	s13 =	simm.s32 $0x0  }
0x19: {  	[tilespmem:s16], [sflag:$0x5] =	stream.linear.gather [hbm4b:s9+s13], $0x3900, $0x38;
	[tilespmem:$0x1FF80] =	vst v63  }
0x1a: {  	_ =	swait.ge [sflag:s17], $0x2780  }
0x1b: {  	[sflag:s17] =	ssyncset.done $0x0  }
0x1c: {  	[sflag:s17] =	ssyncadd.s32 $0xFFFFD880  }
0x1d: {  	_ =	swait.ge [sflag:s17], $0x2780  }
0x1e: {  	[sflag:s17] =	ssyncset.done $0x0  }
0x1f: {  	[sflag:s17] =	ssyncadd.s32 $0xFFFFD880  }
0x20: {  	_ =	swait.ge [sflag:s17], $0x3900  }
0x21: {  	[sflag:s17] =	ssyncset.done $0x0  }
0x22: {  	[sflag:s17] =	ssyncadd.s32 $0xFFFFC700  }
0x23: {  	[bflag:$0x0] =	sbarrier.arrive $0xFFFF  }
0x24: {  	[tilespmem:s19], [sflag:$0x1] =	stream.indirect.gather [hbm4b:s1+s18], $0x80, s15, s18, $0xb8;
	[tilespmem:$0x1FF80] =	vst v63  }
0x25: {  	_ = 	snop  }
0x26: {  	[tilespmem:s21], [sflag:$0x2] =	stream.indirect.gather [hbm4b:s1+s18], $0x80, s20, s18, $0xb8;
	[tilespmem:$0x1FF80] =	vst v63  }
0x27: {  	_ =	swait.ge [sflag:s22], $0x2C00  }
0x28: {  	[sflag:s22] =	ssyncset.done $0x0  }
0x29: {  	s2 =	simm.s32 $0x16380;
	[sflag:s22] =	ssyncadd.s32 $0xFFFFD400  }
0x2a: {  	[spmem:s3] =	stream.indirect.scatter.add.f32 [tilespmem:s19], [sflag:$0x3], $0x80, s2, s18, $0xb8;
	[tilespmem:$0x1FF80] =	vst v63  }
0x2b: {  	_ =	swait.ge [sflag:s23], $0x2C00  }
0x2c: {  	[sflag:s23] =	ssyncset.done $0x0  }
0x2d: {  	s4 =	simm.s32 $0x13CB0;
	[sflag:s23] =	ssyncadd.s32 $0xFFFFD400  }
0x2e: {  	[tilespmem:s19], [sflag:$0x1] =	stream.indirect.gather [hbm4b:s1+s18], $0x80, s4, s18, $0xb8;
	[tilespmem:$0x1FF80] =	vst v63  }
0x2f: {  	_ =	swait.ge [sflag:s24], $0x2C00  }
0x30: {  	[sflag:s24] =	ssyncset.done $0x0  }
0x31: {  	s13 =	simm.s32 $0x16400;
	[sflag:s24] =	ssyncadd.s32 $0xFFFFD400  }
0x32: {  	[spmem:s3] =	stream.indirect.scatter.add.f32 [tilespmem:s21], [sflag:$0x4], $0x80, s13, s18, $0xb8;
	[tilespmem:$0x1FF80] =	vst v63  }
0x33: {  	_ =	swait.ge [sflag:s25], $0x2C00  }
0x34: {  	s31 =	simm.s32 $0x13D08;
	[sflag:s25] =	ssyncset.done $0x0  }
0x35: {  	s0 =	simm.s32 $0x13DB8;
	s2 =	simm.s32 $0x400;
	[sflag:s25] =	ssyncadd.s32 $0xFFFFD400  }
.LBB2_2:
0x36: {  	[tilespmem:s21], [sflag:$0x2] =	stream.indirect.gather [hbm4b:s1+s18], $0x80, s31, s18, $0xb8;
	[tilespmem:$0x1FF80] =	vst v63  }
0x37: {  	s4 =	smov.u32 s2;
	s31 =	smov.u32 s0  }
0x38: {  	p0 =	sne.s32 s2, $0xDC00;
	s2 =	sadd.s32 $0x400, s2;
	_ =	swait.ge [sflag:s22], $0x2C00  }
0x39: {  	s4 =	sshra.s32 s4, $0x2;
	[sflag:s22] =	ssyncset.done $0x0  }
0x3a: {  	s13 =	sadd.s32 $0x16380, s4;
	[sflag:s22] =	ssyncadd.s32 $0xFFFFD400  }
0x3b: {  	[spmem:s3] =	stream.indirect.scatter.add.f32 [tilespmem:s19], [sflag:$0x3], $0x80, s13, s18, $0xb8;
	[tilespmem:$0x1FF80] =	vst v63  }
0x3c: {  	_ =	swait.ge [sflag:s23], $0x2C00  }
0x3d: {  	[sflag:s23] =	ssyncset.done $0x0  }
0x3e: {  	s13 =	sadd.s32 $0xFFFFFFA8, s0;
	[sflag:s23] =	ssyncadd.s32 $0xFFFFD400  }
0x3f: {  	[tilespmem:s19], [sflag:$0x1] =	stream.indirect.gather [hbm4b:s1+s18], $0x80, s13, s18, $0xb8;
	[tilespmem:$0x1FF80] =	vst v63  }
0x40: {  	_ =	swait.ge [sflag:s24], $0x2C00  }
0x41: {  	[sflag:s24] =	ssyncset.done $0x0  }
.Ltmp0:
0x42: {  	s4 =	sadd.s32 $0x16400, s4;
	[sflag:s24] =	ssyncadd.s32 $0xFFFFD400;
	(pc) =	sbr.rel @p0 .LBB2_2-.Ltmp0, $4  }
0x43: {  	[spmem:s3] =	stream.indirect.scatter.add.f32 [tilespmem:s21], [sflag:$0x4], $0x80, s4, s18, $0xb8;
	[tilespmem:$0x1FF80] =	vst v63  }
0x44: {  	_ =	swait.ge [sflag:s25], $0x2C00  }
0x45: {  	[sflag:s25] =	ssyncset.done $0x0  }
0x46: {  	s0 =	sadd.s32 $0xB0, s0;
	[sflag:s25] =	ssyncadd.s32 $0xFFFFD400  }
0x47: {  	[tilespmem:s21], [sflag:$0x2] =	stream.indirect.gather [hbm4b:s1+s18], $0x80, s31, s18, $0xb8;
	[tilespmem:$0x1FF80] =	vst v63  }
0x48: {  	_ =	swait.ge [sflag:s22], $0x2C00  }
0x49: {  	[sflag:s22] =	ssyncset.done $0x0  }
0x4a: {  	[sflag:s22] =	ssyncadd.s32 $0xFFFFD400  }
0x4b: {  	[spmem:s3] =	stream.indirect.scatter.add.f32 [tilespmem:s19], [sflag:$0x3], $0x80, s26, s18, $0xb8;
	[tilespmem:$0x1FF80] =	vst v63  }
0x4c: {  	_ =	swait.ge [sflag:s23], $0x2C00  }
0x4d: {  	[sflag:s23] =	ssyncset.done $0x0  }
0x4e: {  	[sflag:s23] =	ssyncadd.s32 $0xFFFFD400  }
0x4f: {  	_ =	swait.ge [sflag:s24], $0x2C00  }
0x50: {  	[sflag:s24] =	ssyncset.done $0x0  }
0x51: {  	[sflag:s24] =	ssyncadd.s32 $0xFFFFD400  }
0x52: {  	[spmem:s3] =	stream.indirect.scatter.add.f32 [tilespmem:s21], [sflag:$0x4], $0x80, s28, s18, $0xb8;
	[tilespmem:$0x1FF80] =	vst v63  }
0x53: {  	_ =	swait.ge [sflag:s25], $0x2C00  }
0x54: {  	s30 =	sadd.s32 $0x1, s30;
	[sflag:s25] =	ssyncset.done $0x0  }
0x55: {  	p0 =	sne.s32 s30, s11;
	[sflag:s25] =	ssyncadd.s32 $0xFFFFD400  }
.Ltmp1:
0x56: {  	s0 =	sor.u32 $0x1C06, s5;
	[bflag:$0x0] =	sbarrier.arrive $0xFFFF;
	(pc) =	sbr.rel @p0 .LBB2_1-.Ltmp1, $4  }
0x57: {  	[hbm:s10], [sflag:s0] =	dma.local [spmem:s12], $0x2780  }
0x58: {  	_ =	swait.ge [sflag:s29], $0x2780  }
0x59: {  	[sflag:s29] =	ssyncset.done $0x0  }
0x5a: {  	[sflag:s29] =	ssyncadd.s32 $0xFFFFD880  }
0x5b: {  	_ =	sfence.sel $0x180000  }
0x5c: {  	[bflag:$0x0] =	sbarrier.arrive $0xFFFF  }
0x5d: {  	_ =	strace $0x9000004A  }
0x5e: {  	s0 =	stileid.u32;
	[bflag:$0x2] =	sbarrier.arrive $0xFFFF  }
0x5f: {  	p0 =	sne.s32 s0, $0x0;
	s0 =	rddreg [dreg:$0x3]  }
0x60: {  	s0 =	sadd.s32 @!p0 $0x100000, s0  }
0x61: {  	[sflag:s0] =	ssyncadd.tile.s32 @!p0 $0x1;
	_ =	shalt  }
.Lfunc_end2:
_tile_overlayer_lowered:
.L_overlay_start_2:
0x62: {  	(tag) =	ssettag $0x2  }
0x63: {  	s0 =	rddreg [dreg:$0x0];
	s2 =	stileid.u32  }
0x64: {  	s1 =	rddreg [dreg:$0x1];
	p0 =	sne.s32 s2, $0x0  }
0x65: {  	s3 =	rddreg [dreg:$0x2];
	[bflag:$0x3] =	sbarrier.arrive $0xFFFF;
	s2 =	simm.s32 @!p0 $0x1C06  }
0x66: {  	[timem:s3], [sflag:s2] =	dma.local @!p0 [hbm:s0], s1  }
0x67: {  	s0 =	simm.s32 @!p0 $0x6  }
0x68: {  	_ =	swait.ge @!p0 [sflag:s0], s1  }
0x69: {  	s1 =	ssub.s32 @!p0 $0x0, s1;
	[sflag:s0] =	ssyncset.done @!p0 $0x0  }
0x6a: {  	[sflag:s0] =	ssyncadd.s32 @!p0 s1  }
0x6b: {  	[bflag:$0x3] =	sbarrier.arrive $0xFFFF  }
0x6c: {  	_ =	shalt  }

</sc_bundles>
